<compile_context>
chip_gen: v7x
topology: tpu7x:2x2x1
jax: 0.10.2.dev20260603
libtpu: 0.0.44.dev20260713+nightly
codegen_flags: <defaults>
</compile_context>

<pallas_src>
import functools

import jax
import jax.numpy as jnp
from jax import lax
from jax.experimental import pallas as pl
from jax.experimental.pallas import tpu as pltpu
from jax.experimental.pallas import tpu_sc as plsc

_N = 1048576
_H = 64
_TAU = 1000.0

_NW = 32
_RPW = _N // _NW
_CR = 256
_NCH = _RPW // _CR

_MESH = plsc.VectorSubcoreMesh(core_axis_name="c", subcore_axis_name="s")


def _sc_weighted_sum_body(mb_hbm, ts_hbm, out_hbm,
                          mb_v0, mb_v1, ts_v, stage,
                          sem_mb0, sem_mb1, sem_ts):
    mb_bufs = (mb_v0, mb_v1)
    mb_sems = (sem_mb0, sem_mb1)

    wid = lax.axis_index("s") * 2 + lax.axis_index("c")
    base = wid * _RPW

    def start(chunk, b):
        row0 = base + chunk * _CR
        pltpu.make_async_copy(mb_hbm.at[pl.ds(row0, _CR)], mb_bufs[b],
                              mb_sems[b]).start()

    pltpu.make_async_copy(ts_hbm.at[pl.ds(base, _RPW)], ts_v, sem_ts).start()
    start(0, 0)
    start(1, 1)
    pltpu.make_async_copy(ts_hbm.at[pl.ds(base, _RPW)], ts_v, sem_ts).wait()

    inv_tau = 1.0 / _TAU

    def gbody(g, accs):
        for b in range(2):
            chunk = g * 2 + b
            pltpu.make_async_copy(mb_hbm.at[pl.ds(0, _CR)], mb_bufs[b],
                                  mb_sems[b]).wait()
            crow0 = chunk * _CR

            def rbody(j16, accs, b=b, crow0=crow0):
                a0, a1, a2, a3, a4, a5, a6, a7 = accs
                r = mb_bufs[b]
                wv = jnp.exp(ts_v[pl.ds(crow0 + j16 * 16, 16)] * inv_tau)
                for jj in range(0, 16, 2):
                    j = j16 * 16 + jj
                    w0 = wv[jj]
                    w1 = wv[jj + 1]
                    a0 = a0 + r[j, pl.ds(0, 16)] * w0
                    a1 = a1 + r[j, pl.ds(16, 16)] * w0
                    a2 = a2 + r[j, pl.ds(32, 16)] * w0
                    a3 = a3 + r[j, pl.ds(48, 16)] * w0
                    a4 = a4 + r[j + 1, pl.ds(0, 16)] * w1
                    a5 = a5 + r[j + 1, pl.ds(16, 16)] * w1
                    a6 = a6 + r[j + 1, pl.ds(32, 16)] * w1
                    a7 = a7 + r[j + 1, pl.ds(48, 16)] * w1
                return (a0, a1, a2, a3, a4, a5, a6, a7)

            accs = lax.fori_loop(0, _CR // 16, rbody, accs)

            @pl.when(chunk + 2 < _NCH)
            def _(chunk=chunk, b=b):
                start(chunk + 2, b)
        return accs

    zero = jnp.zeros((16,), jnp.float32)
    accs = lax.fori_loop(0, _NCH // 4, gbody,
                         (zero, zero, zero, zero, zero, zero, zero, zero))

    for q in range(4):
        stage[pl.ds(q * 16, 16)] = accs[q] + accs[q + 4]
    pltpu.sync_copy(stage, out_hbm.at[wid])


_sc_weighted_sum = functools.partial(
    pl.kernel,
    out_type=jax.ShapeDtypeStruct((_NW, _H), jnp.float32),
    mesh=_MESH,
    scratch_types=[
        pltpu.VMEM((_CR, _H), jnp.float32),
        pltpu.VMEM((_CR, _H), jnp.float32),
        pltpu.VMEM((_RPW,), jnp.float32),
        pltpu.VMEM((_H,), jnp.float32),
        pltpu.SemaphoreType.DMA,
        pltpu.SemaphoreType.DMA,
        pltpu.SemaphoreType.DMA,
    ],
)(_sc_weighted_sum_body)


def _sc_fetch_row_body(mb_hbm, idx_hbm, out_hbm, idx_v, rows_v, stage,
                       sem_i, sem_r):
    wid = lax.axis_index("s") * 2 + lax.axis_index("c")

    @pl.when(wid == 0)
    def _():
        pltpu.make_async_copy(idx_hbm, idx_v, sem_i).start()
        pltpu.make_async_copy(idx_hbm, idx_v, sem_i).wait()
        iv = idx_v[...]
        idx = iv[0]
        aligned = (idx // 8) * 8
        pltpu.make_async_copy(mb_hbm.at[pl.ds(aligned, 8)], rows_v,
                              sem_r).start()
        pltpu.make_async_copy(mb_hbm.at[pl.ds(aligned, 8)], rows_v,
                              sem_r).wait()
        j = idx - aligned
        for q in range(4):
            stage[pl.ds(q * 16, 16)] = rows_v[j, pl.ds(q * 16, 16)]
        pltpu.sync_copy(stage, out_hbm)


_sc_fetch_row = functools.partial(
    pl.kernel,
    out_type=jax.ShapeDtypeStruct((_H,), jnp.float32),
    mesh=_MESH,
    scratch_types=[
        pltpu.VMEM((16,), jnp.int32),
        pltpu.VMEM((8, _H), jnp.float32),
        pltpu.VMEM((_H,), jnp.float32),
        pltpu.SemaphoreType.DMA,
        pltpu.SemaphoreType.DMA,
    ],
)(_sc_fetch_row_body)


def _argmin_kernel(ts_ref, min_ref, idx_ref):
    x = ts_ref[...]
    m = jnp.min(x)
    r, c = x.shape
    lin = (jax.lax.broadcasted_iota(jnp.int32, (r, c), 0) * c
           + jax.lax.broadcasted_iota(jnp.int32, (r, c), 1))
    cand = jnp.where(x == m, lin, jnp.int32(2147483647))
    idx = jnp.min(cand)
    min_ref[0] = m
    for k in range(16):
        idx_ref[k] = idx


def kernel(query_embedding, embedding, timestamp, current_timestamp,
           memory_bank, timestamps):
    partials = _sc_weighted_sum(memory_bank, timestamps)

    min_ts, idx_pad = pl.pallas_call(
        _argmin_kernel,
        in_specs=[pl.BlockSpec(memory_space=pltpu.VMEM)],
        out_specs=[
            pl.BlockSpec(memory_space=pltpu.SMEM),
            pl.BlockSpec(memory_space=pltpu.SMEM),
        ],
        out_shape=[
            jax.ShapeDtypeStruct((1,), jnp.float32),
            jax.ShapeDtypeStruct((16,), jnp.int32),
        ],
    )(timestamps.reshape(_N // 128, 128))

    row = _sc_fetch_row(memory_bank, idx_pad)

    s = jnp.sum(partials, axis=0)
    scale = jnp.exp(-current_timestamp / _TAU)
    w_old = jnp.exp((min_ts[0] - current_timestamp) / _TAU)
    w_new = jnp.exp((timestamp - current_timestamp) / _TAU)
    out = (s * scale - w_old * row + w_new * embedding) * (1.0 / _N)
    return out

# --- scband reference (transcript-rebuilt; emitter-appended) ---
"""Pipeline reference for scband-working-memory-module-2319282340224 (READ-ONLY COPY).

The authoritative reference and input builder live on the scoring server;
editing this copy changes nothing except your own understanding.
"""

import jax, jax.numpy as jnp
import numpy as np

TEMPORAL_CONTEXT_SIZE = 1000.0
WORKING_MEMORY_SIZE = 1048576
HIDDEN_DIM = 64


def setup_inputs(seed: int = 0) -> dict:
    key = jax.random.key(seed)
    k0, k1, k2, k3 = jax.random.split(key, 4)
    return {
        "query_embedding": jax.random.normal(k0, (HIDDEN_DIM,), dtype=jnp.float32),
        "embedding": jax.random.normal(k1, (HIDDEN_DIM,), dtype=jnp.float32),
        "timestamp": jnp.ones((), dtype=jnp.float32),
        "current_timestamp": jnp.ones((), dtype=jnp.float32),
        "memory_bank": jax.random.normal(k2, (WORKING_MEMORY_SIZE, HIDDEN_DIM), dtype=jnp.float32),
        "timestamps": jax.random.uniform(k3, (WORKING_MEMORY_SIZE,), dtype=jnp.float32),
    }


def reference(query_embedding, embedding, timestamp, current_timestamp, memory_bank, timestamps):
    # update_memory: find LRU slot (argmin over timestamps) and scatter-overwrite
    idx = jnp.argmin(timestamps)
    mb = memory_bank.at[idx].set(embedding)
    ts = timestamps.at[idx].set(timestamp)
    # retrieve_memory: temporal-decay weighted mean over the full memory bank
    time_deltas = current_timestamp - ts
    decay_weights = jnp.exp(-time_deltas / TEMPORAL_CONTEXT_SIZE)
    weighted_memories = mb * decay_weights[:, None]
    return weighted_memories.mean(axis=0)

if __name__ == "__main__":
    import jax
    _d = setup_inputs()
    print(jax.jit(kernel)(*tuple(_d.values())))

</pallas_src>

<mosaic_0001>
#map = affine_map<(d0, d1) -> (0, 0)>
#map1 = affine_map<(d0, d1) -> (0)>
module attributes {stable_mosaic.version = 14 : i64} {
  func.func @_sc_weighted_sum_body(%arg0: i32, %arg1: i32, %arg2: memref<1048576x64xf32, #tpu.memory_space<hbm>>, %arg3: memref<1048576xf32, #tpu.memory_space<hbm>>, %arg4: memref<32x64xf32, #tpu.memory_space<hbm>>, %arg5: memref<256x64xf32, #tpu.memory_space<vmem>>, %arg6: memref<256x64xf32, #tpu.memory_space<vmem>>, %arg7: memref<32768xf32, #tpu.memory_space<vmem>>, %arg8: memref<64xf32, #tpu.memory_space<vmem>>, %arg9: memref<!tpu.dma_semaphore, #tpu.memory_space<semaphore_mem>>, %arg10: memref<!tpu.dma_semaphore, #tpu.memory_space<semaphore_mem>>, %arg11: memref<!tpu.dma_semaphore, #tpu.memory_space<semaphore_mem>>) attributes {dimension_semantics = [#tpu.dimension_semantics<core_parallel>, #tpu.dimension_semantics<subcore_parallel>], iteration_bounds = array<i64: 2, 16>, scalar_prefetch = 0 : i64, scratch_operands = 7 : i64, tpu.core_type = #tpu.core_type<sc_vector_subcore>, window_params = [{transform_indices = #map}, {transform_indices = #map1}, {transform_indices = #map}]} {
    %mul3A = arith.constant 2 : i32
    %mul3A_0 = arith.muli %arg1, %mul3A : i32
    %add3A = arith.addi %mul3A_0, %arg0 : i32
    %mul3A_1 = arith.constant 32768 : i32
    %mul3A_2 = arith.muli %add3A, %mul3A_1 : i32
    %dma_start3A = tpu.memref_slice %arg3[%mul3A_2] : memref<1048576xf32, #tpu.memory_space<hbm>> -> memref<32768xf32, #tpu.memory_space<hbm>>
    %dma_start3A_3 = tpu.memref_slice %arg3[%mul3A_2] : memref<1048576xf32, #tpu.memory_space<hbm>> -> memref<32768xf32, #tpu.memory_space<hbm>>
    tpu.enqueue_dma source(%dma_start3A_3 : memref<32768xf32, #tpu.memory_space<hbm>>) target(%arg7 : memref<32768xf32, #tpu.memory_space<vmem>>) target_semaphore(%arg11 : memref<!tpu.dma_semaphore, #tpu.memory_space<semaphore_mem>>)
    %add3A_4 = arith.constant 0 : i32
    %add3A_5 = arith.addi %mul3A_2, %add3A_4 : i32
    %dma_start3A_6 = arith.constant 0 : i32
    %dma_start3A_7 = tpu.memref_slice %arg2[%add3A_5, %dma_start3A_6] : memref<1048576x64xf32, #tpu.memory_space<hbm>> -> memref<256x64xf32, #tpu.memory_space<hbm>>
    %dma_start3A_8 = arith.constant 0 : i32
    %dma_start3A_9 = tpu.memref_slice %arg2[%add3A_5, %dma_start3A_8] : memref<1048576x64xf32, #tpu.memory_space<hbm>> -> memref<256x64xf32, #tpu.memory_space<hbm>>
    tpu.enqueue_dma source(%dma_start3A_9 : memref<256x64xf32, #tpu.memory_space<hbm>>) target(%arg5 : memref<256x64xf32, #tpu.memory_space<vmem>>) target_semaphore(%arg9 : memref<!tpu.dma_semaphore, #tpu.memory_space<semaphore_mem>>)
    %add3A_10 = arith.constant 256 : i32
    %add3A_11 = arith.addi %mul3A_2, %add3A_10 : i32
    %dma_start3A_12 = arith.constant 0 : i32
    %dma_start3A_13 = tpu.memref_slice %arg2[%add3A_11, %dma_start3A_12] : memref<1048576x64xf32, #tpu.memory_space<hbm>> -> memref<256x64xf32, #tpu.memory_space<hbm>>
    %dma_start3A_14 = arith.constant 0 : i32
    %dma_start3A_15 = tpu.memref_slice %arg2[%add3A_11, %dma_start3A_14] : memref<1048576x64xf32, #tpu.memory_space<hbm>> -> memref<256x64xf32, #tpu.memory_space<hbm>>
    tpu.enqueue_dma source(%dma_start3A_15 : memref<256x64xf32, #tpu.memory_space<hbm>>) target(%arg6 : memref<256x64xf32, #tpu.memory_space<vmem>>) target_semaphore(%arg10 : memref<!tpu.dma_semaphore, #tpu.memory_space<semaphore_mem>>)
    %dma_wait3A = tpu.memref_slice %arg3[%mul3A_2] : memref<1048576xf32, #tpu.memory_space<hbm>> -> memref<32768xf32, #tpu.memory_space<hbm>>
    %dma_wait3A_16 = tpu.memref_slice %arg3[%mul3A_2] : memref<1048576xf32, #tpu.memory_space<hbm>> -> memref<32768xf32, #tpu.memory_space<hbm>>
    tpu.wait_dma2 semaphore(%arg11 : memref<!tpu.dma_semaphore, #tpu.memory_space<semaphore_mem>>) src(%dma_wait3A_16 : memref<32768xf32, #tpu.memory_space<hbm>>) dst(%arg7 : memref<32768xf32, #tpu.memory_space<vmem>>)
    %broadcast_in_dim3A = arith.constant 0.000000e+00 : f32
    %broadcast_in_dim3A_17 = vector.broadcast %broadcast_in_dim3A : f32 to vector<16xf32>
    %scan3A = arith.constant 0 : i32
    %scan3A_18 = arith.constant 32 : i32
    %scan3A_19 = arith.addi %scan3A, %scan3A_18 : i32
    %scan3A_20 = arith.constant 1 : i32
    %scan3A_21:8 = scf.for %scan3A_42 = %scan3A to %scan3A_19 step %scan3A_20 iter_args(%scan3A_43 = %broadcast_in_dim3A_17, %scan3A_44 = %broadcast_in_dim3A_17, %scan3A_45 = %broadcast_in_dim3A_17, %scan3A_46 = %broadcast_in_dim3A_17, %scan3A_47 = %broadcast_in_dim3A_17, %scan3A_48 = %broadcast_in_dim3A_17, %scan3A_49 = %broadcast_in_dim3A_17, %scan3A_50 = %broadcast_in_dim3A_17) -> (vector<16xf32>, vector<16xf32>, vector<16xf32>, vector<16xf32>, vector<16xf32>, vector<16xf32>, vector<16xf32>, vector<16xf32>)  : i32 {
      %mul3A_51 = arith.constant 2 : i32
      %mul3A_52 = arith.muli %scan3A_42, %mul3A_51 : i32
      %add3A_53 = arith.constant 0 : i32
      %add3A_54 = arith.addi %mul3A_52, %add3A_53 : i32
      %dma_wait3A_55 = arith.constant 0 : i32
      %dma_wait3A_56 = arith.constant 0 : i32
      %dma_wait3A_57 = tpu.memref_slice %arg2[%dma_wait3A_55, %dma_wait3A_56] : memref<1048576x64xf32, #tpu.memory_space<hbm>> -> memref<256x64xf32, #tpu.memory_space<hbm>>
      %dma_wait3A_58 = arith.constant 0 : i32
      %dma_wait3A_59 = arith.constant 0 : i32
      %dma_wait3A_60 = tpu.memref_slice %arg2[%dma_wait3A_58, %dma_wait3A_59] : memref<1048576x64xf32, #tpu.memory_space<hbm>> -> memref<256x64xf32, #tpu.memory_space<hbm>>
      tpu.wait_dma2 semaphore(%arg9 : memref<!tpu.dma_semaphore, #tpu.memory_space<semaphore_mem>>) src(%dma_wait3A_60 : memref<256x64xf32, #tpu.memory_space<hbm>>) dst(%arg5 : memref<256x64xf32, #tpu.memory_space<vmem>>)
      %mul3A_61 = arith.constant 256 : i32
      %mul3A_62 = arith.muli %add3A_54, %mul3A_61 : i32
      %scan3A_63 = arith.constant 0 : i32
      %scan3A_64 = arith.constant 16 : i32
      %scan3A_65 = arith.addi %scan3A_63, %scan3A_64 : i32
      %scan3A_66 = arith.constant 1 : i32
      %scan3A_67:8 = scf.for %scan3A_98 = %scan3A_63 to %scan3A_65 step %scan3A_66 iter_args(%scan3A_99 = %scan3A_43, %scan3A_100 = %scan3A_44, %scan3A_101 = %scan3A_45, %scan3A_102 = %scan3A_46, %scan3A_103 = %scan3A_47, %scan3A_104 = %scan3A_48, %scan3A_105 = %scan3A_49, %scan3A_106 = %scan3A_50) -> (vector<16xf32>, vector<16xf32>, vector<16xf32>, vector<16xf32>, vector<16xf32>, vector<16xf32>, vector<16xf32>, vector<16xf32>)  : i32 {
        %mul3A_107 = arith.constant 16 : i32
        %mul3A_108 = arith.muli %scan3A_98, %mul3A_107 : i32
        %add3A_109 = arith.addi %mul3A_62, %mul3A_108 : i32
        %get3A = arith.index_cast %add3A_109 : i32 to index
        %get3A_110 = tpu.vector_load %arg7[%get3A] {strides = array<i32>} : memref<32768xf32, #tpu.memory_space<vmem>>, vector<16xf32>,
        %get3A_111 = vector.shape_cast %get3A_110 : vector<16xf32> to vector<16xf32>
        %mul3A_112 = arith.constant 1.000000e-03 : f32
        %mul3A_113 = vector.broadcast %mul3A_112 : f32 to vector<16xf32>
        %mul3A_114 = arith.mulf %get3A_111, %mul3A_113 : vector<16xf32>
        %exp3A = math.exp %mul3A_114 : vector<16xf32>
        %mul3A_115 = arith.constant 16 : i32
        %mul3A_116 = arith.muli %scan3A_98, %mul3A_115 : i32
        %add3A_117 = arith.constant 0 : i32
        %add3A_118 = arith.addi %mul3A_116, %add3A_117 : i32
        %slice3A = vector.extract_strided_slice %exp3A {offsets = [0], sizes = [1], strides = [1]} : vector<16xf32> to vector<1xf32>
        %squeeze3A = vector.extract %slice3A[0] : f32 from vector<1xf32>
        %slice3A_119 = vector.extract_strided_slice %exp3A {offsets = [1], sizes = [1], strides = [1]} : vector<16xf32> to vector<1xf32>
        %squeeze3A_120 = vector.extract %slice3A_119[0] : f32 from vector<1xf32>
        %get3A_121 = arith.index_cast %add3A_118 : i32 to index
        %get3A_122 = arith.constant 0 : index
        %get3A_123 = tpu.vector_load %arg5[%get3A_121, %get3A_122] {strides = array<i32>} : memref<256x64xf32, #tpu.memory_space<vmem>>, vector<1x16xf32>,
        %get3A_124 = vector.shape_cast %get3A_123 : vector<1x16xf32> to vector<16xf32>
        %mul3A_125 = vector.broadcast %squeeze3A : f32 to vector<16xf32>
        %mul3A_126 = arith.mulf %get3A_124, %mul3A_125 : vector<16xf32>
        %add3A_127 = arith.addf %scan3A_99, %mul3A_126 : vector<16xf32>
        %get3A_128 = arith.index_cast %add3A_118 : i32 to index
        %get3A_129 = arith.constant 16 : index
        %get3A_130 = tpu.vector_load %arg5[%get3A_128, %get3A_129] {strides = array<i32>} : memref<256x64xf32, #tpu.memory_space<vmem>>, vector<1x16xf32>,
        %get3A_131 = vector.shape_cast %get3A_130 : vector<1x16xf32> to vector<16xf32>
        %mul3A_132 = vector.broadcast %squeeze3A : f32 to vector<16xf32>
        %mul3A_133 = arith.mulf %get3A_131, %mul3A_132 : vector<16xf32>
        %add3A_134 = arith.addf %scan3A_100, %mul3A_133 : vector<16xf32>
        %get3A_135 = arith.index_cast %add3A_118 : i32 to index
        %get3A_136 = arith.constant 32 : index
        %get3A_137 = tpu.vector_load %arg5[%get3A_135, %get3A_136] {strides = array<i32>} : memref<256x64xf32, #tpu.memory_space<vmem>>, vector<1x16xf32>,
        %get3A_138 = vector.shape_cast %get3A_137 : vector<1x16xf32> to vector<16xf32>
        %mul3A_139 = vector.broadcast %squeeze3A : f32 to vector<16xf32>
        %mul3A_140 = arith.mulf %get3A_138, %mul3A_139 : vector<16xf32>
        %add3A_141 = arith.addf %scan3A_101, %mul3A_140 : vector<16xf32>
        %get3A_142 = arith.index_cast %add3A_118 : i32 to index
        %get3A_143 = arith.constant 48 : index
        %get3A_144 = tpu.vector_load %arg5[%get3A_142, %get3A_143] {strides = array<i32>} : memref<256x64xf32, #tpu.memory_space<vmem>>, vector<1x16xf32>,
        %get3A_145 = vector.shape_cast %get3A_144 : vector<1x16xf32> to vector<16xf32>
        %mul3A_146 = vector.broadcast %squeeze3A : f32 to vector<16xf32>
        %mul3A_147 = arith.mulf %get3A_145, %mul3A_146 : vector<16xf32>
        %add3A_148 = arith.addf %scan3A_102, %mul3A_147 : vector<16xf32>
        %add3A_149 = arith.constant 1 : i32
        %add3A_150 = arith.addi %add3A_118, %add3A_149 : i32
        %get3A_151 = arith.index_cast %add3A_150 : i32 to index
        %get3A_152 = arith.constant 0 : index
        %get3A_153 = tpu.vector_load %arg5[%get3A_151, %get3A_152] {strides = array<i32>} : memref<256x64xf32, #tpu.memory_space<vmem>>, vector<1x16xf32>,
        %get3A_154 = vector.shape_cast %get3A_153 : vector<1x16xf32> to vector<16xf32>
        %mul3A_155 = vector.broadcast %squeeze3A_120 : f32 to vector<16xf32>
        %mul3A_156 = arith.mulf %get3A_154, %mul3A_155 : vector<16xf32>
        %add3A_157 = arith.addf %scan3A_103, %mul3A_156 : vector<16xf32>
        %add3A_158 = arith.constant 1 : i32
        %add3A_159 = arith.addi %add3A_118, %add3A_158 : i32
        %get3A_160 = arith.index_cast %add3A_159 : i32 to index
        %get3A_161 = arith.constant 16 : index
        %get3A_162 = tpu.vector_load %arg5[%get3A_160, %get3A_161] {strides = array<i32>} : memref<256x64xf32, #tpu.memory_space<vmem>>, vector<1x16xf32>,
        %get3A_163 = vector.shape_cast %get3A_162 : vector<1x16xf32> to vector<16xf32>
        %mul3A_164 = vector.broadcast %squeeze3A_120 : f32 to vector<16xf32>
        %mul3A_165 = arith.mulf %get3A_163, %mul3A_164 : vector<16xf32>
        %add3A_166 = arith.addf %scan3A_104, %mul3A_165 : vector<16xf32>
        %add3A_167 = arith.constant 1 : i32
        %add3A_168 = arith.addi %add3A_118, %add3A_167 : i32
        %get3A_169 = arith.index_cast %add3A_168 : i32 to index
        %get3A_170 = arith.constant 32 : index
        %get3A_171 = tpu.vector_load %arg5[%get3A_169, %get3A_170] {strides = array<i32>} : memref<256x64xf32, #tpu.memory_space<vmem>>, vector<1x16xf32>,
        %get3A_172 = vector.shape_cast %get3A_171 : vector<1x16xf32> to vector<16xf32>
        %mul3A_173 = vector.broadcast %squeeze3A_120 : f32 to vector<16xf32>
        %mul3A_174 = arith.mulf %get3A_172, %mul3A_173 : vector<16xf32>
        %add3A_175 = arith.addf %scan3A_105, %mul3A_174 : vector<16xf32>
        %add3A_176 = arith.constant 1 : i32
        %add3A_177 = arith.addi %add3A_118, %add3A_176 : i32
        %get3A_178 = arith.index_cast %add3A_177 : i32 to index
        %get3A_179 = arith.constant 48 : index
        %get3A_180 = tpu.vector_load %arg5[%get3A_178, %get3A_179] {strides = array<i32>} : memref<256x64xf32, #tpu.memory_space<vmem>>, vector<1x16xf32>,
        %get3A_181 = vector.shape_cast %get3A_180 : vector<1x16xf32> to vector<16xf32>
        %mul3A_182 = vector.broadcast %squeeze3A_120 : f32 to vector<16xf32>
        %mul3A_183 = arith.mulf %get3A_181, %mul3A_182 : vector<16xf32>
        %add3A_184 = arith.addf %scan3A_106, %mul3A_183 : vector<16xf32>
        %mul3A_185 = arith.constant 16 : i32
        %mul3A_186 = arith.muli %scan3A_98, %mul3A_185 : i32
        %add3A_187 = arith.constant 2 : i32
        %add3A_188 = arith.addi %mul3A_186, %add3A_187 : i32
        %slice3A_189 = vector.extract_strided_slice %exp3A {offsets = [2], sizes = [1], strides = [1]} : vector<16xf32> to vector<1xf32>
        %squeeze3A_190 = vector.extract %slice3A_189[0] : f32 from vector<1xf32>
        %slice3A_191 = vector.extract_strided_slice %exp3A {offsets = [3], sizes = [1], strides = [1]} : vector<16xf32> to vector<1xf32>
        %squeeze3A_192 = vector.extract %slice3A_191[0] : f32 from vector<1xf32>
        %get3A_193 = arith.index_cast %add3A_188 : i32 to index
        %get3A_194 = arith.constant 0 : index
        %get3A_195 = tpu.vector_load %arg5[%get3A_193, %get3A_194] {strides = array<i32>} : memref<256x64xf32, #tpu.memory_space<vmem>>, vector<1x16xf32>,
        %get3A_196 = vector.shape_cast %get3A_195 : vector<1x16xf32> to vector<16xf32>
        %mul3A_197 = vector.broadcast %squeeze3A_190 : f32 to vector<16xf32>
        %mul3A_198 = arith.mulf %get3A_196, %mul3A_197 : vector<16xf32>
        %add3A_199 = arith.addf %add3A_127, %mul3A_198 : vector<16xf32>
        %get3A_200 = arith.index_cast %add3A_188 : i32 to index
        %get3A_201 = arith.constant 16 : index
        %get3A_202 = tpu.vector_load %arg5[%get3A_200, %get3A_201] {strides = array<i32>} : memref<256x64xf32, #tpu.memory_space<vmem>>, vector<1x16xf32>,
        %get3A_203 = vector.shape_cast %get3A_202 : vector<1x16xf32> to vector<16xf32>
        %mul3A_204 = vector.broadcast %squeeze3A_190 : f32 to vector<16xf32>
        %mul3A_205 = arith.mulf %get3A_203, %mul3A_204 : vector<16xf32>
        %add3A_206 = arith.addf %add3A_134, %mul3A_205 : vector<16xf32>
        %get3A_207 = arith.index_cast %add3A_188 : i32 to index
        %get3A_208 = arith.constant 32 : index
        %get3A_209 = tpu.vector_load %arg5[%get3A_207, %get3A_208] {strides = array<i32>} : memref<256x64xf32, #tpu.memory_space<vmem>>, vector<1x16xf32>,
        %get3A_210 = vector.shape_cast %get3A_209 : vector<1x16xf32> to vector<16xf32>
        %mul3A_211 = vector.broadcast %squeeze3A_190 : f32 to vector<16xf32>
        %mul3A_212 = arith.mulf %get3A_210, %mul3A_211 : vector<16xf32>
        %add3A_213 = arith.addf %add3A_141, %mul3A_212 : vector<16xf32>
        %get3A_214 = arith.index_cast %add3A_188 : i32 to index
        %get3A_215 = arith.constant 48 : index
        %get3A_216 = tpu.vector_load %arg5[%get3A_214, %get3A_215] {strides = array<i32>} : memref<256x64xf32, #tpu.memory_space<vmem>>, vector<1x16xf32>,
        %get3A_217 = vector.shape_cast %get3A_216 : vector<1x16xf32> to vector<16xf32>
        %mul3A_218 = vector.broadcast %squeeze3A_190 : f32 to vector<16xf32>
        %mul3A_219 = arith.mulf %get3A_217, %mul3A_218 : vector<16xf32>
        %add3A_220 = arith.addf %add3A_148, %mul3A_219 : vector<16xf32>
        %add3A_221 = arith.constant 1 : i32
        %add3A_222 = arith.addi %add3A_188, %add3A_221 : i32
        %get3A_223 = arith.index_cast %add3A_222 : i32 to index
        %get3A_224 = arith.constant 0 : index
        %get3A_225 = tpu.vector_load %arg5[%get3A_223, %get3A_224] {strides = array<i32>} : memref<256x64xf32, #tpu.memory_space<vmem>>, vector<1x16xf32>,
        %get3A_226 = vector.shape_cast %get3A_225 : vector<1x16xf32> to vector<16xf32>
        %mul3A_227 = vector.broadcast %squeeze3A_192 : f32 to vector<16xf32>
        %mul3A_228 = arith.mulf %get3A_226, %mul3A_227 : vector<16xf32>
        %add3A_229 = arith.addf %add3A_157, %mul3A_228 : vector<16xf32>
        %add3A_230 = arith.constant 1 : i32
        %add3A_231 = arith.addi %add3A_188, %add3A_230 : i32
        %get3A_232 = arith.index_cast %add3A_231 : i32 to index
        %get3A_233 = arith.constant 16 : index
        %get3A_234 = tpu.vector_load %arg5[%get3A_232, %get3A_233] {strides = array<i32>} : memref<256x64xf32, #tpu.memory_space<vmem>>, vector<1x16xf32>,
        %get3A_235 = vector.shape_cast %get3A_234 : vector<1x16xf32> to vector<16xf32>
        %mul3A_236 = vector.broadcast %squeeze3A_192 : f32 to vector<16xf32>
        %mul3A_237 = arith.mulf %get3A_235, %mul3A_236 : vector<16xf32>
        %add3A_238 = arith.addf %add3A_166, %mul3A_237 : vector<16xf32>
        %add3A_239 = arith.constant 1 : i32
        %add3A_240 = arith.addi %add3A_188, %add3A_239 : i32
        %get3A_241 = arith.index_cast %add3A_240 : i32 to index
        %get3A_242 = arith.constant 32 : index
        %get3A_243 = tpu.vector_load %arg5[%get3A_241, %get3A_242] {strides = array<i32>} : memref<256x64xf32, #tpu.memory_space<vmem>>, vector<1x16xf32>,
        %get3A_244 = vector.shape_cast %get3A_243 : vector<1x16xf32> to vector<16xf32>
        %mul3A_245 = vector.broadcast %squeeze3A_192 : f32 to vector<16xf32>
        %mul3A_246 = arith.mulf %get3A_244, %mul3A_245 : vector<16xf32>
        %add3A_247 = arith.addf %add3A_175, %mul3A_246 : vector<16xf32>
        %add3A_248 = arith.constant 1 : i32
        %add3A_249 = arith.addi %add3A_188, %add3A_248 : i32
        %get3A_250 = arith.index_cast %add3A_249 : i32 to index
        %get3A_251 = arith.constant 48 : index
        %get3A_252 = tpu.vector_load %arg5[%get3A_250, %get3A_251] {strides = array<i32>} : memref<256x64xf32, #tpu.memory_space<vmem>>, vector<1x16xf32>,
        %get3A_253 = vector.shape_cast %get3A_252 : vector<1x16xf32> to vector<16xf32>
        %mul3A_254 = vector.broadcast %squeeze3A_192 : f32 to vector<16xf32>
        %mul3A_255 = arith.mulf %get3A_253, %mul3A_254 : vector<16xf32>
        %add3A_256 = arith.addf %add3A_184, %mul3A_255 : vector<16xf32>
        %mul3A_257 = arith.constant 16 : i32
        %mul3A_258 = arith.muli %scan3A_98, %mul3A_257 : i32
        %add3A_259 = arith.constant 4 : i32
        %add3A_260 = arith.addi %mul3A_258, %add3A_259 : i32
        %slice3A_261 = vector.extract_strided_slice %exp3A {offsets = [4], sizes = [1], strides = [1]} : vector<16xf32> to vector<1xf32>
        %squeeze3A_262 = vector.extract %slice3A_261[0] : f32 from vector<1xf32>
        %slice3A_263 = vector.extract_strided_slice %exp3A {offsets = [5], sizes = [1], strides = [1]} : vector<16xf32> to vector<1xf32>
        %squeeze3A_264 = vector.extract %slice3A_263[0] : f32 from vector<1xf32>
        %get3A_265 = arith.index_cast %add3A_260 : i32 to index
        %get3A_266 = arith.constant 0 : index
        %get3A_267 = tpu.vector_load %arg5[%get3A_265, %get3A_266] {strides = array<i32>} : memref<256x64xf32, #tpu.memory_space<vmem>>, vector<1x16xf32>,
        %get3A_268 = vector.shape_cast %get3A_267 : vector<1x16xf32> to vector<16xf32>
        %mul3A_269 = vector.broadcast %squeeze3A_262 : f32 to vector<16xf32>
        %mul3A_270 = arith.mulf %get3A_268, %mul3A_269 : vector<16xf32>
        %add3A_271 = arith.addf %add3A_199, %mul3A_270 : vector<16xf32>
        %get3A_272 = arith.index_cast %add3A_260 : i32 to index
        %get3A_273 = arith.constant 16 : index
        %get3A_274 = tpu.vector_load %arg5[%get3A_272, %get3A_273] {strides = array<i32>} : memref<256x64xf32, #tpu.memory_space<vmem>>, vector<1x16xf32>,
        %get3A_275 = vector.shape_cast %get3A_274 : vector<1x16xf32> to vector<16xf32>
        %mul3A_276 = vector.broadcast %squeeze3A_262 : f32 to vector<16xf32>
        %mul3A_277 = arith.mulf %get3A_275, %mul3A_276 : vector<16xf32>
        %add3A_278 = arith.addf %add3A_206, %mul3A_277 : vector<16xf32>
        %get3A_279 = arith.index_cast %add3A_260 : i32 to index
        %get3A_280 = arith.constant 32 : index
        %get3A_281 = tpu.vector_load %arg5[%get3A_279, %get3A_280] {strides = array<i32>} : memref<256x64xf32, #tpu.memory_space<vmem>>, vector<1x16xf32>,
        %get3A_282 = vector.shape_cast %get3A_281 : vector<1x16xf32> to vector<16xf32>
        %mul3A_283 = vector.broadcast %squeeze3A_262 : f32 to vector<16xf32>
        %mul3A_284 = arith.mulf %get3A_282, %mul3A_283 : vector<16xf32>
        %add3A_285 = arith.addf %add3A_213, %mul3A_284 : vector<16xf32>
        %get3A_286 = arith.index_cast %add3A_260 : i32 to index
        %get3A_287 = arith.constant 48 : index
        %get3A_288 = tpu.vector_load %arg5[%get3A_286, %get3A_287] {strides = array<i32>} : memref<256x64xf32, #tpu.memory_space<vmem>>, vector<1x16xf32>,
        %get3A_289 = vector.shape_cast %get3A_288 : vector<1x16xf32> to vector<16xf32>
        %mul3A_290 = vector.broadcast %squeeze3A_262 : f32 to vector<16xf32>
        %mul3A_291 = arith.mulf %get3A_289, %mul3A_290 : vector<16xf32>
        %add3A_292 = arith.addf %add3A_220, %mul3A_291 : vector<16xf32>
        %add3A_293 = arith.constant 1 : i32
        %add3A_294 = arith.addi %add3A_260, %add3A_293 : i32
        %get3A_295 = arith.index_cast %add3A_294 : i32 to index
        %get3A_296 = arith.constant 0 : index
        %get3A_297 = tpu.vector_load %arg5[%get3A_295, %get3A_296] {strides = array<i32>} : memref<256x64xf32, #tpu.memory_space<vmem>>, vector<1x16xf32>,
        %get3A_298 = vector.shape_cast %get3A_297 : vector<1x16xf32> to vector<16xf32>
        %mul3A_299 = vector.broadcast %squeeze3A_264 : f32 to vector<16xf32>
        %mul3A_300 = arith.mulf %get3A_298, %mul3A_299 : vector<16xf32>
        %add3A_301 = arith.addf %add3A_229, %mul3A_300 : vector<16xf32>
        %add3A_302 = arith.constant 1 : i32
        %add3A_303 = arith.addi %add3A_260, %add3A_302 : i32
        %get3A_304 = arith.index_cast %add3A_303 : i32 to index
        %get3A_305 = arith.constant 16 : index
        %get3A_306 = tpu.vector_load %arg5[%get3A_304, %get3A_305] {strides = array<i32>} : memref<256x64xf32, #tpu.memory_space<vmem>>, vector<1x16xf32>,
        %get3A_307 = vector.shape_cast %get3A_306 : vector<1x16xf32> to vector<16xf32>
        %mul3A_308 = vector.broadcast %squeeze3A_264 : f32 to vector<16xf32>
        %mul3A_309 = arith.mulf %get3A_307, %mul3A_308 : vector<16xf32>
        %add3A_310 = arith.addf %add3A_238, %mul3A_309 : vector<16xf32>
        %add3A_311 = arith.constant 1 : i32
        %add3A_312 = arith.addi %add3A_260, %add3A_311 : i32
        %get3A_313 = arith.index_cast %add3A_312 : i32 to index
        %get3A_314 = arith.constant 32 : index
        %get3A_315 = tpu.vector_load %arg5[%get3A_313, %get3A_314] {strides = array<i32>} : memref<256x64xf32, #tpu.memory_space<vmem>>, vector<1x16xf32>,
        %get3A_316 = vector.shape_cast %get3A_315 : vector<1x16xf32> to vector<16xf32>
        %mul3A_317 = vector.broadcast %squeeze3A_264 : f32 to vector<16xf32>
        %mul3A_318 = arith.mulf %get3A_316, %mul3A_317 : vector<16xf32>
        %add3A_319 = arith.addf %add3A_247, %mul3A_318 : vector<16xf32>
        %add3A_320 = arith.constant 1 : i32
        %add3A_321 = arith.addi %add3A_260, %add3A_320 : i32
        %get3A_322 = arith.index_cast %add3A_321 : i32 to index
        %get3A_323 = arith.constant 48 : index
        %get3A_324 = tpu.vector_load %arg5[%get3A_322, %get3A_323] {strides = array<i32>} : memref<256x64xf32, #tpu.memory_space<vmem>>, vector<1x16xf32>,
        %get3A_325 = vector.shape_cast %get3A_324 : vector<1x16xf32> to vector<16xf32>
        %mul3A_326 = vector.broadcast %squeeze3A_264 : f32 to vector<16xf32>
        %mul3A_327 = arith.mulf %get3A_325, %mul3A_326 : vector<16xf32>
        %add3A_328 = arith.addf %add3A_256, %mul3A_327 : vector<16xf32>
        %mul3A_329 = arith.constant 16 : i32
        %mul3A_330 = arith.muli %scan3A_98, %mul3A_329 : i32
        %add3A_331 = arith.constant 6 : i32
        %add3A_332 = arith.addi %mul3A_330, %add3A_331 : i32
        %slice3A_333 = vector.extract_strided_slice %exp3A {offsets = [6], sizes = [1], strides = [1]} : vector<16xf32> to vector<1xf32>
        %squeeze3A_334 = vector.extract %slice3A_333[0] : f32 from vector<1xf32>
        %slice3A_335 = vector.extract_strided_slice %exp3A {offsets = [7], sizes = [1], strides = [1]} : vector<16xf32> to vector<1xf32>
        %squeeze3A_336 = vector.extract %slice3A_335[0] : f32 from vector<1xf32>
        %get3A_337 = arith.index_cast %add3A_332 : i32 to index
        %get3A_338 = arith.constant 0 : index
        %get3A_339 = tpu.vector_load %arg5[%get3A_337, %get3A_338] {strides = array<i32>} : memref<256x64xf32, #tpu.memory_space<vmem>>, vector<1x16xf32>,
        %get3A_340 = vector.shape_cast %get3A_339 : vector<1x16xf32> to vector<16xf32>
        %mul3A_341 = vector.broadcast %squeeze3A_334 : f32 to vector<16xf32>
        %mul3A_342 = arith.mulf %get3A_340, %mul3A_341 : vector<16xf32>
        %add3A_343 = arith.addf %add3A_271, %mul3A_342 : vector<16xf32>
        %get3A_344 = arith.index_cast %add3A_332 : i32 to index
        %get3A_345 = arith.constant 16 : index
        %get3A_346 = tpu.vector_load %arg5[%get3A_344, %get3A_345] {strides = array<i32>} : memref<256x64xf32, #tpu.memory_space<vmem>>, vector<1x16xf32>,
        %get3A_347 = vector.shape_cast %get3A_346 : vector<1x16xf32> to vector<16xf32>
        %mul3A_348 = vector.broadcast %squeeze3A_334 : f32 to vector<16xf32>
        %mul3A_349 = arith.mulf %get3A_347, %mul3A_348 : vector<16xf32>
        %add3A_350 = arith.addf %add3A_278, %mul3A_349 : vector<16xf32>
        %get3A_351 = arith.index_cast %add3A_332 : i32 to index
        %get3A_352 = arith.constant 32 : index
        %get3A_353 = tpu.vector_load %arg5[%get3A_351, %get3A_352] {strides = array<i32>} : memref<256x64xf32, #tpu.memory_space<vmem>>, vector<1x16xf32>,
        %get3A_354 = vector.shape_cast %get3A_353 : vector<1x16xf32> to vector<16xf32>
        %mul3A_355 = vector.broadcast %squeeze3A_334 : f32 to vector<16xf32>
        %mul3A_356 = arith.mulf %get3A_354, %mul3A_355 : vector<16xf32>
        %add3A_357 = arith.addf %add3A_285, %mul3A_356 : vector<16xf32>
        %get3A_358 = arith.index_cast %add3A_332 : i32 to index
        %get3A_359 = arith.constant 48 : index
        %get3A_360 = tpu.vector_load %arg5[%get3A_358, %get3A_359] {strides = array<i32>} : memref<256x64xf32, #tpu.memory_space<vmem>>, vector<1x16xf32>,
        %get3A_361 = vector.shape_cast %get3A_360 : vector<1x16xf32> to vector<16xf32>
        %mul3A_362 = vector.broadcast %squeeze3A_334 : f32 to vector<16xf32>
        %mul3A_363 = arith.mulf %get3A_361, %mul3A_362 : vector<16xf32>
        %add3A_364 = arith.addf %add3A_292, %mul3A_363 : vector<16xf32>
        %add3A_365 = arith.constant 1 : i32
        %add3A_366 = arith.addi %add3A_332, %add3A_365 : i32
        %get3A_367 = arith.index_cast %add3A_366 : i32 to index
        %get3A_368 = arith.constant 0 : index
        %get3A_369 = tpu.vector_load %arg5[%get3A_367, %get3A_368] {strides = array<i32>} : memref<256x64xf32, #tpu.memory_space<vmem>>, vector<1x16xf32>,
        %get3A_370 = vector.shape_cast %get3A_369 : vector<1x16xf32> to vector<16xf32>
        %mul3A_371 = vector.broadcast %squeeze3A_336 : f32 to vector<16xf32>
        %mul3A_372 = arith.mulf %get3A_370, %mul3A_371 : vector<16xf32>
        %add3A_373 = arith.addf %add3A_301, %mul3A_372 : vector<16xf32>
        %add3A_374 = arith.constant 1 : i32
        %add3A_375 = arith.addi %add3A_332, %add3A_374 : i32
        %get3A_376 = arith.index_cast %add3A_375 : i32 to index
        %get3A_377 = arith.constant 16 : index
        %get3A_378 = tpu.vector_load %arg5[%get3A_376, %get3A_377] {strides = array<i32>} : memref<256x64xf32, #tpu.memory_space<vmem>>, vector<1x16xf32>,
        %get3A_379 = vector.shape_cast %get3A_378 : vector<1x16xf32> to vector<16xf32>
        %mul3A_380 = vector.broadcast %squeeze3A_336 : f32 to vector<16xf32>
        %mul3A_381 = arith.mulf %get3A_379, %mul3A_380 : vector<16xf32>
        %add3A_382 = arith.addf %add3A_310, %mul3A_381 : vector<16xf32>
        %add3A_383 = arith.constant 1 : i32
        %add3A_384 = arith.addi %add3A_332, %add3A_383 : i32
        %get3A_385 = arith.index_cast %add3A_384 : i32 to index
        %get3A_386 = arith.constant 32 : index
        %get3A_387 = tpu.vector_load %arg5[%get3A_385, %get3A_386] {strides = array<i32>} : memref<256x64xf32, #tpu.memory_space<vmem>>, vector<1x16xf32>,
        %get3A_388 = vector.shape_cast %get3A_387 : vector<1x16xf32> to vector<16xf32>
        %mul3A_389 = vector.broadcast %squeeze3A_336 : f32 to vector<16xf32>
        %mul3A_390 = arith.mulf %get3A_388, %mul3A_389 : vector<16xf32>
        %add3A_391 = arith.addf %add3A_319, %mul3A_390 : vector<16xf32>
        %add3A_392 = arith.constant 1 : i32
        %add3A_393 = arith.addi %add3A_332, %add3A_392 : i32
        %get3A_394 = arith.index_cast %add3A_393 : i32 to index
        %get3A_395 = arith.constant 48 : index
        %get3A_396 = tpu.vector_load %arg5[%get3A_394, %get3A_395] {strides = array<i32>} : memref<256x64xf32, #tpu.memory_space<vmem>>, vector<1x16xf32>,
        %get3A_397 = vector.shape_cast %get3A_396 : vector<1x16xf32> to vector<16xf32>
        %mul3A_398 = vector.broadcast %squeeze3A_336 : f32 to vector<16xf32>
        %mul3A_399 = arith.mulf %get3A_397, %mul3A_398 : vector<16xf32>
        %add3A_400 = arith.addf %add3A_328, %mul3A_399 : vector<16xf32>
        %mul3A_401 = arith.constant 16 : i32
        %mul3A_402 = arith.muli %scan3A_98, %mul3A_401 : i32
        %add3A_403 = arith.constant 8 : i32
        %add3A_404 = arith.addi %mul3A_402, %add3A_403 : i32
        %slice3A_405 = vector.extract_strided_slice %exp3A {offsets = [8], sizes = [1], strides = [1]} : vector<16xf32> to vector<1xf32>
        %squeeze3A_406 = vector.extract %slice3A_405[0] : f32 from vector<1xf32>
        %slice3A_407 = vector.extract_strided_slice %exp3A {offsets = [9], sizes = [1], strides = [1]} : vector<16xf32> to vector<1xf32>
        %squeeze3A_408 = vector.extract %slice3A_407[0] : f32 from vector<1xf32>
        %get3A_409 = arith.index_cast %add3A_404 : i32 to index
        %get3A_410 = arith.constant 0 : index
        %get3A_411 = tpu.vector_load %arg5[%get3A_409, %get3A_410] {strides = array<i32>} : memref<256x64xf32, #tpu.memory_space<vmem>>, vector<1x16xf32>,
        %get3A_412 = vector.shape_cast %get3A_411 : vector<1x16xf32> to vector<16xf32>
        %mul3A_413 = vector.broadcast %squeeze3A_406 : f32 to vector<16xf32>
        %mul3A_414 = arith.mulf %get3A_412, %mul3A_413 : vector<16xf32>
        %add3A_415 = arith.addf %add3A_343, %mul3A_414 : vector<16xf32>
        %get3A_416 = arith.index_cast %add3A_404 : i32 to index
        %get3A_417 = arith.constant 16 : index
        %get3A_418 = tpu.vector_load %arg5[%get3A_416, %get3A_417] {strides = array<i32>} : memref<256x64xf32, #tpu.memory_space<vmem>>, vector<1x16xf32>,
        %get3A_419 = vector.shape_cast %get3A_418 : vector<1x16xf32> to vector<16xf32>
        %mul3A_420 = vector.broadcast %squeeze3A_406 : f32 to vector<16xf32>
        %mul3A_421 = arith.mulf %get3A_419, %mul3A_420 : vector<16xf32>
        %add3A_422 = arith.addf %add3A_350, %mul3A_421 : vector<16xf32>
        %get3A_423 = arith.index_cast %add3A_404 : i32 to index
        %get3A_424 = arith.constant 32 : index
        %get3A_425 = tpu.vector_load %arg5[%get3A_423, %get3A_424] {strides = array<i32>} : memref<256x64xf32, #tpu.memory_space<vmem>>, vector<1x16xf32>,
        %get3A_426 = vector.shape_cast %get3A_425 : vector<1x16xf32> to vector<16xf32>
        %mul3A_427 = vector.broadcast %squeeze3A_406 : f32 to vector<16xf32>
        %mul3A_428 = arith.mulf %get3A_426, %mul3A_427 : vector<16xf32>
        %add3A_429 = arith.addf %add3A_357, %mul3A_428 : vector<16xf32>
        %get3A_430 = arith.index_cast %add3A_404 : i32 to index
        %get3A_431 = arith.constant 48 : index
        %get3A_432 = tpu.vector_load %arg5[%get3A_430, %get3A_431] {strides = array<i32>} : memref<256x64xf32, #tpu.memory_space<vmem>>, vector<1x16xf32>,
        %get3A_433 = vector.shape_cast %get3A_432 : vector<1x16xf32> to vector<16xf32>
        %mul3A_434 = vector.broadcast %squeeze3A_406 : f32 to vector<16xf32>
        %mul3A_435 = arith.mulf %get3A_433, %mul3A_434 : vector<16xf32>
        %add3A_436 = arith.addf %add3A_364, %mul3A_435 : vector<16xf32>
        %add3A_437 = arith.constant 1 : i32
        %add3A_438 = arith.addi %add3A_404, %add3A_437 : i32
        %get3A_439 = arith.index_cast %add3A_438 : i32 to index
        %get3A_440 = arith.constant 0 : index
        %get3A_441 = tpu.vector_load %arg5[%get3A_439, %get3A_440] {strides = array<i32>} : memref<256x64xf32, #tpu.memory_space<vmem>>, vector<1x16xf32>,
        %get3A_442 = vector.shape_cast %get3A_441 : vector<1x16xf32> to vector<16xf32>
        %mul3A_443 = vector.broadcast %squeeze3A_408 : f32 to vector<16xf32>
        %mul3A_444 = arith.mulf %get3A_442, %mul3A_443 : vector<16xf32>
        %add3A_445 = arith.addf %add3A_373, %mul3A_444 : vector<16xf32>
        %add3A_446 = arith.constant 1 : i32
        %add3A_447 = arith.addi %add3A_404, %add3A_446 : i32
        %get3A_448 = arith.index_cast %add3A_447 : i32 to index
        %get3A_449 = arith.constant 16 : index
        %get3A_450 = tpu.vector_load %arg5[%get3A_448, %get3A_449] {strides = array<i32>} : memref<256x64xf32, #tpu.memory_space<vmem>>, vector<1x16xf32>,
        %get3A_451 = vector.shape_cast %get3A_450 : vector<1x16xf32> to vector<16xf32>
        %mul3A_452 = vector.broadcast %squeeze3A_408 : f32 to vector<16xf32>
        %mul3A_453 = arith.mulf %get3A_451, %mul3A_452 : vector<16xf32>
        %add3A_454 = arith.addf %add3A_382, %mul3A_453 : vector<16xf32>
        %add3A_455 = arith.constant 1 : i32
        %add3A_456 = arith.addi %add3A_404, %add3A_455 : i32
        %get3A_457 = arith.index_cast %add3A_456 : i32 to index
        %get3A_458 = arith.constant 32 : index
        %get3A_459 = tpu.vector_load %arg5[%get3A_457, %get3A_458] {strides = array<i32>} : memref<256x64xf32, #tpu.memory_space<vmem>>, vector<1x16xf32>,
        %get3A_460 = vector.shape_cast %get3A_459 : vector<1x16xf32> to vector<16xf32>
        %mul3A_461 = vector.broadcast %squeeze3A_408 : f32 to vector<16xf32>
        %mul3A_462 = arith.mulf %get3A_460, %mul3A_461 : vector<16xf32>
        %add3A_463 = arith.addf %add3A_391, %mul3A_462 : vector<16xf32>
        %add3A_464 = arith.constant 1 : i32
        %add3A_465 = arith.addi %add3A_404, %add3A_464 : i32
        %get3A_466 = arith.index_cast %add3A_465 : i32 to index
        %get3A_467 = arith.constant 48 : index
        %get3A_468 = tpu.vector_load %arg5[%get3A_466, %get3A_467] {strides = array<i32>} : memref<256x64xf32, #tpu.memory_space<vmem>>, vector<1x16xf32>,
        %get3A_469 = vector.shape_cast %get3A_468 : vector<1x16xf32> to vector<16xf32>
        %mul3A_470 = vector.broadcast %squeeze3A_408 : f32 to vector<16xf32>
        %mul3A_471 = arith.mulf %get3A_469, %mul3A_470 : vector<16xf32>
        %add3A_472 = arith.addf %add3A_400, %mul3A_471 : vector<16xf32>
        %mul3A_473 = arith.constant 16 : i32
        %mul3A_474 = arith.muli %scan3A_98, %mul3A_473 : i32
        %add3A_475 = arith.constant 10 : i32
        %add3A_476 = arith.addi %mul3A_474, %add3A_475 : i32
        %slice3A_477 = vector.extract_strided_slice %exp3A {offsets = [10], sizes = [1], strides = [1]} : vector<16xf32> to vector<1xf32>
        %squeeze3A_478 = vector.extract %slice3A_477[0] : f32 from vector<1xf32>
        %slice3A_479 = vector.extract_strided_slice %exp3A {offsets = [11], sizes = [1], strides = [1]} : vector<16xf32> to vector<1xf32>
        %squeeze3A_480 = vector.extract %slice3A_479[0] : f32 from vector<1xf32>
        %get3A_481 = arith.index_cast %add3A_476 : i32 to index
        %get3A_482 = arith.constant 0 : index
        %get3A_483 = tpu.vector_load %arg5[%get3A_481, %get3A_482] {strides = array<i32>} : memref<256x64xf32, #tpu.memory_space<vmem>>, vector<1x16xf32>,
        %get3A_484 = vector.shape_cast %get3A_483 : vector<1x16xf32> to vector<16xf32>
        %mul3A_485 = vector.broadcast %squeeze3A_478 : f32 to vector<16xf32>
        %mul3A_486 = arith.mulf %get3A_484, %mul3A_485 : vector<16xf32>
        %add3A_487 = arith.addf %add3A_415, %mul3A_486 : vector<16xf32>
        %get3A_488 = arith.index_cast %add3A_476 : i32 to index
        %get3A_489 = arith.constant 16 : index
        %get3A_490 = tpu.vector_load %arg5[%get3A_488, %get3A_489] {strides = array<i32>} : memref<256x64xf32, #tpu.memory_space<vmem>>, vector<1x16xf32>,
        %get3A_491 = vector.shape_cast %get3A_490 : vector<1x16xf32> to vector<16xf32>
        %mul3A_492 = vector.broadcast %squeeze3A_478 : f32 to vector<16xf32>
        %mul3A_493 = arith.mulf %get3A_491, %mul3A_492 : vector<16xf32>
        %add3A_494 = arith.addf %add3A_422, %mul3A_493 : vector<16xf32>
        %get3A_495 = arith.index_cast %add3A_476 : i32 to index
        %get3A_496 = arith.constant 32 : index
        %get3A_497 = tpu.vector_load %arg5[%get3A_495, %get3A_496] {strides = array<i32>} : memref<256x64xf32, #tpu.memory_space<vmem>>, vector<1x16xf32>,
        %get3A_498 = vector.shape_cast %get3A_497 : vector<1x16xf32> to vector<16xf32>
        %mul3A_499 = vector.broadcast %squeeze3A_478 : f32 to vector<16xf32>
        %mul3A_500 = arith.mulf %get3A_498, %mul3A_499 : vector<16xf32>
        %add3A_501 = arith.addf %add3A_429, %mul3A_500 : vector<16xf32>
        %get3A_502 = arith.index_cast %add3A_476 : i32 to index
        %get3A_503 = arith.constant 48 : index
        %get3A_504 = tpu.vector_load %arg5[%get3A_502, %get3A_503] {strides = array<i32>} : memref<256x64xf32, #tpu.memory_space<vmem>>, vector<1x16xf32>,
        %get3A_505 = vector.shape_cast %get3A_504 : vector<1x16xf32> to vector<16xf32>
        %mul3A_506 = vector.broadcast %squeeze3A_478 : f32 to vector<16xf32>
        %mul3A_507 = arith.mulf %get3A_505, %mul3A_506 : vector<16xf32>
        %add3A_508 = arith.addf %add3A_436, %mul3A_507 : vector<16xf32>
        %add3A_509 = arith.constant 1 : i32
        %add3A_510 = arith.addi %add3A_476, %add3A_509 : i32
        %get3A_511 = arith.index_cast %add3A_510 : i32 to index
        %get3A_512 = arith.constant 0 : index
        %get3A_513 = tpu.vector_load %arg5[%get3A_511, %get3A_512] {strides = array<i32>} : memref<256x64xf32, #tpu.memory_space<vmem>>, vector<1x16xf32>,
        %get3A_514 = vector.shape_cast %get3A_513 : vector<1x16xf32> to vector<16xf32>
        %mul3A_515 = vector.broadcast %squeeze3A_480 : f32 to vector<16xf32>
        %mul3A_516 = arith.mulf %get3A_514, %mul3A_515 : vector<16xf32>
        %add3A_517 = arith.addf %add3A_445, %mul3A_516 : vector<16xf32>
        %add3A_518 = arith.constant 1 : i32
        %add3A_519 = arith.addi %add3A_476, %add3A_518 : i32
        %get3A_520 = arith.index_cast %add3A_519 : i32 to index
        %get3A_521 = arith.constant 16 : index
        %get3A_522 = tpu.vector_load %arg5[%get3A_520, %get3A_521] {strides = array<i32>} : memref<256x64xf32, #tpu.memory_space<vmem>>, vector<1x16xf32>,
        %get3A_523 = vector.shape_cast %get3A_522 : vector<1x16xf32> to vector<16xf32>
        %mul3A_524 = vector.broadcast %squeeze3A_480 : f32 to vector<16xf32>
        %mul3A_525 = arith.mulf %get3A_523, %mul3A_524 : vector<16xf32>
        %add3A_526 = arith.addf %add3A_454, %mul3A_525 : vector<16xf32>
        %add3A_527 = arith.constant 1 : i32
        %add3A_528 = arith.addi %add3A_476, %add3A_527 : i32
        %get3A_529 = arith.index_cast %add3A_528 : i32 to index
        %get3A_530 = arith.constant 32 : index
        %get3A_531 = tpu.vector_load %arg5[%get3A_529, %get3A_530] {strides = array<i32>} : memref<256x64xf32, #tpu.memory_space<vmem>>, vector<1x16xf32>,
        %get3A_532 = vector.shape_cast %get3A_531 : vector<1x16xf32> to vector<16xf32>
        %mul3A_533 = vector.broadcast %squeeze3A_480 : f32 to vector<16xf32>
        %mul3A_534 = arith.mulf %get3A_532, %mul3A_533 : vector<16xf32>
        %add3A_535 = arith.addf %add3A_463, %mul3A_534 : vector<16xf32>
        %add3A_536 = arith.constant 1 : i32
        %add3A_537 = arith.addi %add3A_476, %add3A_536 : i32
        %get3A_538 = arith.index_cast %add3A_537 : i32 to index
        %get3A_539 = arith.constant 48 : index
        %get3A_540 = tpu.vector_load %arg5[%get3A_538, %get3A_539] {strides = array<i32>} : memref<256x64xf32, #tpu.memory_space<vmem>>, vector<1x16xf32>,
        %get3A_541 = vector.shape_cast %get3A_540 : vector<1x16xf32> to vector<16xf32>
        %mul3A_542 = vector.broadcast %squeeze3A_480 : f32 to vector<16xf32>
        %mul3A_543 = arith.mulf %get3A_541, %mul3A_542 : vector<16xf32>
        %add3A_544 = arith.addf %add3A_472, %mul3A_543 : vector<16xf32>
        %mul3A_545 = arith.constant 16 : i32
        %mul3A_546 = arith.muli %scan3A_98, %mul3A_545 : i32
        %add3A_547 = arith.constant 12 : i32
        %add3A_548 = arith.addi %mul3A_546, %add3A_547 : i32
        %slice3A_549 = vector.extract_strided_slice %exp3A {offsets = [12], sizes = [1], strides = [1]} : vector<16xf32> to vector<1xf32>
        %squeeze3A_550 = vector.extract %slice3A_549[0] : f32 from vector<1xf32>
        %slice3A_551 = vector.extract_strided_slice %exp3A {offsets = [13], sizes = [1], strides = [1]} : vector<16xf32> to vector<1xf32>
        %squeeze3A_552 = vector.extract %slice3A_551[0] : f32 from vector<1xf32>
        %get3A_553 = arith.index_cast %add3A_548 : i32 to index
        %get3A_554 = arith.constant 0 : index
        %get3A_555 = tpu.vector_load %arg5[%get3A_553, %get3A_554] {strides = array<i32>} : memref<256x64xf32, #tpu.memory_space<vmem>>, vector<1x16xf32>,
        %get3A_556 = vector.shape_cast %get3A_555 : vector<1x16xf32> to vector<16xf32>
        %mul3A_557 = vector.broadcast %squeeze3A_550 : f32 to vector<16xf32>
        %mul3A_558 = arith.mulf %get3A_556, %mul3A_557 : vector<16xf32>
        %add3A_559 = arith.addf %add3A_487, %mul3A_558 : vector<16xf32>
        %get3A_560 = arith.index_cast %add3A_548 : i32 to index
        %get3A_561 = arith.constant 16 : index
        %get3A_562 = tpu.vector_load %arg5[%get3A_560, %get3A_561] {strides = array<i32>} : memref<256x64xf32, #tpu.memory_space<vmem>>, vector<1x16xf32>,
        %get3A_563 = vector.shape_cast %get3A_562 : vector<1x16xf32> to vector<16xf32>
        %mul3A_564 = vector.broadcast %squeeze3A_550 : f32 to vector<16xf32>
        %mul3A_565 = arith.mulf %get3A_563, %mul3A_564 : vector<16xf32>
        %add3A_566 = arith.addf %add3A_494, %mul3A_565 : vector<16xf32>
        %get3A_567 = arith.index_cast %add3A_548 : i32 to index
        %get3A_568 = arith.constant 32 : index
        %get3A_569 = tpu.vector_load %arg5[%get3A_567, %get3A_568] {strides = array<i32>} : memref<256x64xf32, #tpu.memory_space<vmem>>, vector<1x16xf32>,
        %get3A_570 = vector.shape_cast %get3A_569 : vector<1x16xf32> to vector<16xf32>
        %mul3A_571 = vector.broadcast %squeeze3A_550 : f32 to vector<16xf32>
        %mul3A_572 = arith.mulf %get3A_570, %mul3A_571 : vector<16xf32>
        %add3A_573 = arith.addf %add3A_501, %mul3A_572 : vector<16xf32>
        %get3A_574 = arith.index_cast %add3A_548 : i32 to index
        %get3A_575 = arith.constant 48 : index
        %get3A_576 = tpu.vector_load %arg5[%get3A_574, %get3A_575] {strides = array<i32>} : memref<256x64xf32, #tpu.memory_space<vmem>>, vector<1x16xf32>,
        %get3A_577 = vector.shape_cast %get3A_576 : vector<1x16xf32> to vector<16xf32>
        %mul3A_578 = vector.broadcast %squeeze3A_550 : f32 to vector<16xf32>
        %mul3A_579 = arith.mulf %get3A_577, %mul3A_578 : vector<16xf32>
        %add3A_580 = arith.addf %add3A_508, %mul3A_579 : vector<16xf32>
        %add3A_581 = arith.constant 1 : i32
        %add3A_582 = arith.addi %add3A_548, %add3A_581 : i32
        %get3A_583 = arith.index_cast %add3A_582 : i32 to index
        %get3A_584 = arith.constant 0 : index
        %get3A_585 = tpu.vector_load %arg5[%get3A_583, %get3A_584] {strides = array<i32>} : memref<256x64xf32, #tpu.memory_space<vmem>>, vector<1x16xf32>,
        %get3A_586 = vector.shape_cast %get3A_585 : vector<1x16xf32> to vector<16xf32>
        %mul3A_587 = vector.broadcast %squeeze3A_552 : f32 to vector<16xf32>
        %mul3A_588 = arith.mulf %get3A_586, %mul3A_587 : vector<16xf32>
        %add3A_589 = arith.addf %add3A_517, %mul3A_588 : vector<16xf32>
        %add3A_590 = arith.constant 1 : i32
        %add3A_591 = arith.addi %add3A_548, %add3A_590 : i32
        %get3A_592 = arith.index_cast %add3A_591 : i32 to index
        %get3A_593 = arith.constant 16 : index
        %get3A_594 = tpu.vector_load %arg5[%get3A_592, %get3A_593] {strides = array<i32>} : memref<256x64xf32, #tpu.memory_space<vmem>>, vector<1x16xf32>,
        %get3A_595 = vector.shape_cast %get3A_594 : vector<1x16xf32> to vector<16xf32>
        %mul3A_596 = vector.broadcast %squeeze3A_552 : f32 to vector<16xf32>
        %mul3A_597 = arith.mulf %get3A_595, %mul3A_596 : vector<16xf32>
        %add3A_598 = arith.addf %add3A_526, %mul3A_597 : vector<16xf32>
        %add3A_599 = arith.constant 1 : i32
        %add3A_600 = arith.addi %add3A_548, %add3A_599 : i32
        %get3A_601 = arith.index_cast %add3A_600 : i32 to index
        %get3A_602 = arith.constant 32 : index
        %get3A_603 = tpu.vector_load %arg5[%get3A_601, %get3A_602] {strides = array<i32>} : memref<256x64xf32, #tpu.memory_space<vmem>>, vector<1x16xf32>,
        %get3A_604 = vector.shape_cast %get3A_603 : vector<1x16xf32> to vector<16xf32>
        %mul3A_605 = vector.broadcast %squeeze3A_552 : f32 to vector<16xf32>
        %mul3A_606 = arith.mulf %get3A_604, %mul3A_605 : vector<16xf32>
        %add3A_607 = arith.addf %add3A_535, %mul3A_606 : vector<16xf32>
        %add3A_608 = arith.constant 1 : i32
        %add3A_609 = arith.addi %add3A_548, %add3A_608 : i32
        %get3A_610 = arith.index_cast %add3A_609 : i32 to index
        %get3A_611 = arith.constant 48 : index
        %get3A_612 = tpu.vector_load %arg5[%get3A_610, %get3A_611] {strides = array<i32>} : memref<256x64xf32, #tpu.memory_space<vmem>>, vector<1x16xf32>,
        %get3A_613 = vector.shape_cast %get3A_612 : vector<1x16xf32> to vector<16xf32>
        %mul3A_614 = vector.broadcast %squeeze3A_552 : f32 to vector<16xf32>
        %mul3A_615 = arith.mulf %get3A_613, %mul3A_614 : vector<16xf32>
        %add3A_616 = arith.addf %add3A_544, %mul3A_615 : vector<16xf32>
        %mul3A_617 = arith.constant 16 : i32
        %mul3A_618 = arith.muli %scan3A_98, %mul3A_617 : i32
        %add3A_619 = arith.constant 14 : i32
        %add3A_620 = arith.addi %mul3A_618, %add3A_619 : i32
        %slice3A_621 = vector.extract_strided_slice %exp3A {offsets = [14], sizes = [1], strides = [1]} : vector<16xf32> to vector<1xf32>
        %squeeze3A_622 = vector.extract %slice3A_621[0] : f32 from vector<1xf32>
        %slice3A_623 = vector.extract_strided_slice %exp3A {offsets = [15], sizes = [1], strides = [1]} : vector<16xf32> to vector<1xf32>
        %squeeze3A_624 = vector.extract %slice3A_623[0] : f32 from vector<1xf32>
        %get3A_625 = arith.index_cast %add3A_620 : i32 to index
        %get3A_626 = arith.constant 0 : index
        %get3A_627 = tpu.vector_load %arg5[%get3A_625, %get3A_626] {strides = array<i32>} : memref<256x64xf32, #tpu.memory_space<vmem>>, vector<1x16xf32>,
        %get3A_628 = vector.shape_cast %get3A_627 : vector<1x16xf32> to vector<16xf32>
        %mul3A_629 = vector.broadcast %squeeze3A_622 : f32 to vector<16xf32>
        %mul3A_630 = arith.mulf %get3A_628, %mul3A_629 : vector<16xf32>
        %add3A_631 = arith.addf %add3A_559, %mul3A_630 : vector<16xf32>
        %get3A_632 = arith.index_cast %add3A_620 : i32 to index
        %get3A_633 = arith.constant 16 : index
        %get3A_634 = tpu.vector_load %arg5[%get3A_632, %get3A_633] {strides = array<i32>} : memref<256x64xf32, #tpu.memory_space<vmem>>, vector<1x16xf32>,
        %get3A_635 = vector.shape_cast %get3A_634 : vector<1x16xf32> to vector<16xf32>
        %mul3A_636 = vector.broadcast %squeeze3A_622 : f32 to vector<16xf32>
        %mul3A_637 = arith.mulf %get3A_635, %mul3A_636 : vector<16xf32>
        %add3A_638 = arith.addf %add3A_566, %mul3A_637 : vector<16xf32>
        %get3A_639 = arith.index_cast %add3A_620 : i32 to index
        %get3A_640 = arith.constant 32 : index
        %get3A_641 = tpu.vector_load %arg5[%get3A_639, %get3A_640] {strides = array<i32>} : memref<256x64xf32, #tpu.memory_space<vmem>>, vector<1x16xf32>,
        %get3A_642 = vector.shape_cast %get3A_641 : vector<1x16xf32> to vector<16xf32>
        %mul3A_643 = vector.broadcast %squeeze3A_622 : f32 to vector<16xf32>
        %mul3A_644 = arith.mulf %get3A_642, %mul3A_643 : vector<16xf32>
        %add3A_645 = arith.addf %add3A_573, %mul3A_644 : vector<16xf32>
        %get3A_646 = arith.index_cast %add3A_620 : i32 to index
        %get3A_647 = arith.constant 48 : index
        %get3A_648 = tpu.vector_load %arg5[%get3A_646, %get3A_647] {strides = array<i32>} : memref<256x64xf32, #tpu.memory_space<vmem>>, vector<1x16xf32>,
        %get3A_649 = vector.shape_cast %get3A_648 : vector<1x16xf32> to vector<16xf32>
        %mul3A_650 = vector.broadcast %squeeze3A_622 : f32 to vector<16xf32>
        %mul3A_651 = arith.mulf %get3A_649, %mul3A_650 : vector<16xf32>
        %add3A_652 = arith.addf %add3A_580, %mul3A_651 : vector<16xf32>
        %add3A_653 = arith.constant 1 : i32
        %add3A_654 = arith.addi %add3A_620, %add3A_653 : i32
        %get3A_655 = arith.index_cast %add3A_654 : i32 to index
        %get3A_656 = arith.constant 0 : index
        %get3A_657 = tpu.vector_load %arg5[%get3A_655, %get3A_656] {strides = array<i32>} : memref<256x64xf32, #tpu.memory_space<vmem>>, vector<1x16xf32>,
        %get3A_658 = vector.shape_cast %get3A_657 : vector<1x16xf32> to vector<16xf32>
        %mul3A_659 = vector.broadcast %squeeze3A_624 : f32 to vector<16xf32>
        %mul3A_660 = arith.mulf %get3A_658, %mul3A_659 : vector<16xf32>
        %add3A_661 = arith.addf %add3A_589, %mul3A_660 : vector<16xf32>
        %add3A_662 = arith.constant 1 : i32
        %add3A_663 = arith.addi %add3A_620, %add3A_662 : i32
        %get3A_664 = arith.index_cast %add3A_663 : i32 to index
        %get3A_665 = arith.constant 16 : index
        %get3A_666 = tpu.vector_load %arg5[%get3A_664, %get3A_665] {strides = array<i32>} : memref<256x64xf32, #tpu.memory_space<vmem>>, vector<1x16xf32>,
        %get3A_667 = vector.shape_cast %get3A_666 : vector<1x16xf32> to vector<16xf32>
        %mul3A_668 = vector.broadcast %squeeze3A_624 : f32 to vector<16xf32>
        %mul3A_669 = arith.mulf %get3A_667, %mul3A_668 : vector<16xf32>
        %add3A_670 = arith.addf %add3A_598, %mul3A_669 : vector<16xf32>
        %add3A_671 = arith.constant 1 : i32
        %add3A_672 = arith.addi %add3A_620, %add3A_671 : i32
        %get3A_673 = arith.index_cast %add3A_672 : i32 to index
        %get3A_674 = arith.constant 32 : index
        %get3A_675 = tpu.vector_load %arg5[%get3A_673, %get3A_674] {strides = array<i32>} : memref<256x64xf32, #tpu.memory_space<vmem>>, vector<1x16xf32>,
        %get3A_676 = vector.shape_cast %get3A_675 : vector<1x16xf32> to vector<16xf32>
        %mul3A_677 = vector.broadcast %squeeze3A_624 : f32 to vector<16xf32>
        %mul3A_678 = arith.mulf %get3A_676, %mul3A_677 : vector<16xf32>
        %add3A_679 = arith.addf %add3A_607, %mul3A_678 : vector<16xf32>
        %add3A_680 = arith.constant 1 : i32
        %add3A_681 = arith.addi %add3A_620, %add3A_680 : i32
        %get3A_682 = arith.index_cast %add3A_681 : i32 to index
        %get3A_683 = arith.constant 48 : index
        %get3A_684 = tpu.vector_load %arg5[%get3A_682, %get3A_683] {strides = array<i32>} : memref<256x64xf32, #tpu.memory_space<vmem>>, vector<1x16xf32>,
        %get3A_685 = vector.shape_cast %get3A_684 : vector<1x16xf32> to vector<16xf32>
        %mul3A_686 = vector.broadcast %squeeze3A_624 : f32 to vector<16xf32>
        %mul3A_687 = arith.mulf %get3A_685, %mul3A_686 : vector<16xf32>
        %add3A_688 = arith.addf %add3A_616, %mul3A_687 : vector<16xf32>
        scf.yield %add3A_631, %add3A_638, %add3A_645, %add3A_652, %add3A_661, %add3A_670, %add3A_679, %add3A_688 : vector<16xf32>, vector<16xf32>, vector<16xf32>, vector<16xf32>, vector<16xf32>, vector<16xf32>, vector<16xf32>, vector<16xf32>
      }
      %scan3A_68 = arith.constant 16 : i32
      %add3A_69 = arith.constant 2 : i32
      %add3A_70 = arith.addi %add3A_54, %add3A_69 : i32
      %lt3A = arith.constant 128 : i32
      %lt3A_71 = arith.cmpi slt, %add3A_70, %lt3A : i32
      %convert_element_type3A = arith.extui %lt3A_71 : i1 to i32
      %cond3A = arith.constant 0 : i32
      %cond3A_72 = arith.cmpi ne, %convert_element_type3A, %cond3A : i32
      scf.if %cond3A_72 {
        %add3A_98 = arith.constant 2 : i32
        %add3A_99 = arith.addi %add3A_54, %add3A_98 : i32
        %mul3A_100 = arith.constant 256 : i32
        %mul3A_101 = arith.muli %add3A_99, %mul3A_100 : i32
        %add3A_102 = arith.addi %mul3A_2, %mul3A_101 : i32
        %dma_start3A_103 = arith.constant 0 : i32
        %dma_start3A_104 = tpu.memref_slice %arg2[%add3A_102, %dma_start3A_103] : memref<1048576x64xf32, #tpu.memory_space<hbm>> -> memref<256x64xf32, #tpu.memory_space<hbm>>
        %dma_start3A_105 = arith.constant 0 : i32
        %dma_start3A_106 = tpu.memref_slice %arg2[%add3A_102, %dma_start3A_105] : memref<1048576x64xf32, #tpu.memory_space<hbm>> -> memref<256x64xf32, #tpu.memory_space<hbm>>
        tpu.enqueue_dma source(%dma_start3A_106 : memref<256x64xf32, #tpu.memory_space<hbm>>) target(%arg5 : memref<256x64xf32, #tpu.memory_space<vmem>>) target_semaphore(%arg9 : memref<!tpu.dma_semaphore, #tpu.memory_space<semaphore_mem>>)
      } else {
      }
      %mul3A_73 = arith.constant 2 : i32
      %mul3A_74 = arith.muli %scan3A_42, %mul3A_73 : i32
      %add3A_75 = arith.constant 1 : i32
      %add3A_76 = arith.addi %mul3A_74, %add3A_75 : i32
      %dma_wait3A_77 = arith.constant 0 : i32
      %dma_wait3A_78 = arith.constant 0 : i32
      %dma_wait3A_79 = tpu.memref_slice %arg2[%dma_wait3A_77, %dma_wait3A_78] : memref<1048576x64xf32, #tpu.memory_space<hbm>> -> memref<256x64xf32, #tpu.memory_space<hbm>>
      %dma_wait3A_80 = arith.constant 0 : i32
      %dma_wait3A_81 = arith.constant 0 : i32
      %dma_wait3A_82 = tpu.memref_slice %arg2[%dma_wait3A_80, %dma_wait3A_81] : memref<1048576x64xf32, #tpu.memory_space<hbm>> -> memref<256x64xf32, #tpu.memory_space<hbm>>
      tpu.wait_dma2 semaphore(%arg10 : memref<!tpu.dma_semaphore, #tpu.memory_space<semaphore_mem>>) src(%dma_wait3A_82 : memref<256x64xf32, #tpu.memory_space<hbm>>) dst(%arg6 : memref<256x64xf32, #tpu.memory_space<vmem>>)
      %mul3A_83 = arith.constant 256 : i32
      %mul3A_84 = arith.muli %add3A_76, %mul3A_83 : i32
      %scan3A_85 = arith.constant 0 : i32
      %scan3A_86 = arith.constant 16 : i32
      %scan3A_87 = arith.addi %scan3A_85, %scan3A_86 : i32
      %scan3A_88 = arith.constant 1 : i32
      %scan3A_89:8 = scf.for %scan3A_98 = %scan3A_85 to %scan3A_87 step %scan3A_88 iter_args(%scan3A_99 = %scan3A_67#0, %scan3A_100 = %scan3A_67#1, %scan3A_101 = %scan3A_67#2, %scan3A_102 = %scan3A_67#3, %scan3A_103 = %scan3A_67#4, %scan3A_104 = %scan3A_67#5, %scan3A_105 = %scan3A_67#6, %scan3A_106 = %scan3A_67#7) -> (vector<16xf32>, vector<16xf32>, vector<16xf32>, vector<16xf32>, vector<16xf32>, vector<16xf32>, vector<16xf32>, vector<16xf32>)  : i32 {
        %mul3A_107 = arith.constant 16 : i32
        %mul3A_108 = arith.muli %scan3A_98, %mul3A_107 : i32
        %add3A_109 = arith.addi %mul3A_84, %mul3A_108 : i32
        %get3A = arith.index_cast %add3A_109 : i32 to index
        %get3A_110 = tpu.vector_load %arg7[%get3A] {strides = array<i32>} : memref<32768xf32, #tpu.memory_space<vmem>>, vector<16xf32>,
        %get3A_111 = vector.shape_cast %get3A_110 : vector<16xf32> to vector<16xf32>
        %mul3A_112 = arith.constant 1.000000e-03 : f32
        %mul3A_113 = vector.broadcast %mul3A_112 : f32 to vector<16xf32>
        %mul3A_114 = arith.mulf %get3A_111, %mul3A_113 : vector<16xf32>
        %exp3A = math.exp %mul3A_114 : vector<16xf32>
        %mul3A_115 = arith.constant 16 : i32
        %mul3A_116 = arith.muli %scan3A_98, %mul3A_115 : i32
        %add3A_117 = arith.constant 0 : i32
        %add3A_118 = arith.addi %mul3A_116, %add3A_117 : i32
        %slice3A = vector.extract_strided_slice %exp3A {offsets = [0], sizes = [1], strides = [1]} : vector<16xf32> to vector<1xf32>
        %squeeze3A = vector.extract %slice3A[0] : f32 from vector<1xf32>
        %slice3A_119 = vector.extract_strided_slice %exp3A {offsets = [1], sizes = [1], strides = [1]} : vector<16xf32> to vector<1xf32>
        %squeeze3A_120 = vector.extract %slice3A_119[0] : f32 from vector<1xf32>
        %get3A_121 = arith.index_cast %add3A_118 : i32 to index
        %get3A_122 = arith.constant 0 : index
        %get3A_123 = tpu.vector_load %arg6[%get3A_121, %get3A_122] {strides = array<i32>} : memref<256x64xf32, #tpu.memory_space<vmem>>, vector<1x16xf32>,
        %get3A_124 = vector.shape_cast %get3A_123 : vector<1x16xf32> to vector<16xf32>
        %mul3A_125 = vector.broadcast %squeeze3A : f32 to vector<16xf32>
        %mul3A_126 = arith.mulf %get3A_124, %mul3A_125 : vector<16xf32>
        %add3A_127 = arith.addf %scan3A_99, %mul3A_126 : vector<16xf32>
        %get3A_128 = arith.index_cast %add3A_118 : i32 to index
        %get3A_129 = arith.constant 16 : index
        %get3A_130 = tpu.vector_load %arg6[%get3A_128, %get3A_129] {strides = array<i32>} : memref<256x64xf32, #tpu.memory_space<vmem>>, vector<1x16xf32>,
        %get3A_131 = vector.shape_cast %get3A_130 : vector<1x16xf32> to vector<16xf32>
        %mul3A_132 = vector.broadcast %squeeze3A : f32 to vector<16xf32>
        %mul3A_133 = arith.mulf %get3A_131, %mul3A_132 : vector<16xf32>
        %add3A_134 = arith.addf %scan3A_100, %mul3A_133 : vector<16xf32>
        %get3A_135 = arith.index_cast %add3A_118 : i32 to index
        %get3A_136 = arith.constant 32 : index
        %get3A_137 = tpu.vector_load %arg6[%get3A_135, %get3A_136] {strides = array<i32>} : memref<256x64xf32, #tpu.memory_space<vmem>>, vector<1x16xf32>,
        %get3A_138 = vector.shape_cast %get3A_137 : vector<1x16xf32> to vector<16xf32>
        %mul3A_139 = vector.broadcast %squeeze3A : f32 to vector<16xf32>
        %mul3A_140 = arith.mulf %get3A_138, %mul3A_139 : vector<16xf32>
        %add3A_141 = arith.addf %scan3A_101, %mul3A_140 : vector<16xf32>
        %get3A_142 = arith.index_cast %add3A_118 : i32 to index
        %get3A_143 = arith.constant 48 : index
        %get3A_144 = tpu.vector_load %arg6[%get3A_142, %get3A_143] {strides = array<i32>} : memref<256x64xf32, #tpu.memory_space<vmem>>, vector<1x16xf32>,
        %get3A_145 = vector.shape_cast %get3A_144 : vector<1x16xf32> to vector<16xf32>
        %mul3A_146 = vector.broadcast %squeeze3A : f32 to vector<16xf32>
        %mul3A_147 = arith.mulf %get3A_145, %mul3A_146 : vector<16xf32>
        %add3A_148 = arith.addf %scan3A_102, %mul3A_147 : vector<16xf32>
        %add3A_149 = arith.constant 1 : i32
        %add3A_150 = arith.addi %add3A_118, %add3A_149 : i32
        %get3A_151 = arith.index_cast %add3A_150 : i32 to index
        %get3A_152 = arith.constant 0 : index
        %get3A_153 = tpu.vector_load %arg6[%get3A_151, %get3A_152] {strides = array<i32>} : memref<256x64xf32, #tpu.memory_space<vmem>>, vector<1x16xf32>,
        %get3A_154 = vector.shape_cast %get3A_153 : vector<1x16xf32> to vector<16xf32>
        %mul3A_155 = vector.broadcast %squeeze3A_120 : f32 to vector<16xf32>
        %mul3A_156 = arith.mulf %get3A_154, %mul3A_155 : vector<16xf32>
        %add3A_157 = arith.addf %scan3A_103, %mul3A_156 : vector<16xf32>
        %add3A_158 = arith.constant 1 : i32
        %add3A_159 = arith.addi %add3A_118, %add3A_158 : i32
        %get3A_160 = arith.index_cast %add3A_159 : i32 to index
        %get3A_161 = arith.constant 16 : index
        %get3A_162 = tpu.vector_load %arg6[%get3A_160, %get3A_161] {strides = array<i32>} : memref<256x64xf32, #tpu.memory_space<vmem>>, vector<1x16xf32>,
        %get3A_163 = vector.shape_cast %get3A_162 : vector<1x16xf32> to vector<16xf32>
        %mul3A_164 = vector.broadcast %squeeze3A_120 : f32 to vector<16xf32>
        %mul3A_165 = arith.mulf %get3A_163, %mul3A_164 : vector<16xf32>
        %add3A_166 = arith.addf %scan3A_104, %mul3A_165 : vector<16xf32>
        %add3A_167 = arith.constant 1 : i32
        %add3A_168 = arith.addi %add3A_118, %add3A_167 : i32
        %get3A_169 = arith.index_cast %add3A_168 : i32 to index
        %get3A_170 = arith.constant 32 : index
        %get3A_171 = tpu.vector_load %arg6[%get3A_169, %get3A_170] {strides = array<i32>} : memref<256x64xf32, #tpu.memory_space<vmem>>, vector<1x16xf32>,
        %get3A_172 = vector.shape_cast %get3A_171 : vector<1x16xf32> to vector<16xf32>
        %mul3A_173 = vector.broadcast %squeeze3A_120 : f32 to vector<16xf32>
        %mul3A_174 = arith.mulf %get3A_172, %mul3A_173 : vector<16xf32>
        %add3A_175 = arith.addf %scan3A_105, %mul3A_174 : vector<16xf32>
        %add3A_176 = arith.constant 1 : i32
        %add3A_177 = arith.addi %add3A_118, %add3A_176 : i32
        %get3A_178 = arith.index_cast %add3A_177 : i32 to index
        %get3A_179 = arith.constant 48 : index
        %get3A_180 = tpu.vector_load %arg6[%get3A_178, %get3A_179] {strides = array<i32>} : memref<256x64xf32, #tpu.memory_space<vmem>>, vector<1x16xf32>,
        %get3A_181 = vector.shape_cast %get3A_180 : vector<1x16xf32> to vector<16xf32>
        %mul3A_182 = vector.broadcast %squeeze3A_120 : f32 to vector<16xf32>
        %mul3A_183 = arith.mulf %get3A_181, %mul3A_182 : vector<16xf32>
        %add3A_184 = arith.addf %scan3A_106, %mul3A_183 : vector<16xf32>
        %mul3A_185 = arith.constant 16 : i32
        %mul3A_186 = arith.muli %scan3A_98, %mul3A_185 : i32
        %add3A_187 = arith.constant 2 : i32
        %add3A_188 = arith.addi %mul3A_186, %add3A_187 : i32
        %slice3A_189 = vector.extract_strided_slice %exp3A {offsets = [2], sizes = [1], strides = [1]} : vector<16xf32> to vector<1xf32>
        %squeeze3A_190 = vector.extract %slice3A_189[0] : f32 from vector<1xf32>
        %slice3A_191 = vector.extract_strided_slice %exp3A {offsets = [3], sizes = [1], strides = [1]} : vector<16xf32> to vector<1xf32>
        %squeeze3A_192 = vector.extract %slice3A_191[0] : f32 from vector<1xf32>
        %get3A_193 = arith.index_cast %add3A_188 : i32 to index
        %get3A_194 = arith.constant 0 : index
        %get3A_195 = tpu.vector_load %arg6[%get3A_193, %get3A_194] {strides = array<i32>} : memref<256x64xf32, #tpu.memory_space<vmem>>, vector<1x16xf32>,
        %get3A_196 = vector.shape_cast %get3A_195 : vector<1x16xf32> to vector<16xf32>
        %mul3A_197 = vector.broadcast %squeeze3A_190 : f32 to vector<16xf32>
        %mul3A_198 = arith.mulf %get3A_196, %mul3A_197 : vector<16xf32>
        %add3A_199 = arith.addf %add3A_127, %mul3A_198 : vector<16xf32>
        %get3A_200 = arith.index_cast %add3A_188 : i32 to index
        %get3A_201 = arith.constant 16 : index
        %get3A_202 = tpu.vector_load %arg6[%get3A_200, %get3A_201] {strides = array<i32>} : memref<256x64xf32, #tpu.memory_space<vmem>>, vector<1x16xf32>,
        %get3A_203 = vector.shape_cast %get3A_202 : vector<1x16xf32> to vector<16xf32>
        %mul3A_204 = vector.broadcast %squeeze3A_190 : f32 to vector<16xf32>
        %mul3A_205 = arith.mulf %get3A_203, %mul3A_204 : vector<16xf32>
        %add3A_206 = arith.addf %add3A_134, %mul3A_205 : vector<16xf32>
        %get3A_207 = arith.index_cast %add3A_188 : i32 to index
        %get3A_208 = arith.constant 32 : index
        %get3A_209 = tpu.vector_load %arg6[%get3A_207, %get3A_208] {strides = array<i32>} : memref<256x64xf32, #tpu.memory_space<vmem>>, vector<1x16xf32>,
        %get3A_210 = vector.shape_cast %get3A_209 : vector<1x16xf32> to vector<16xf32>
        %mul3A_211 = vector.broadcast %squeeze3A_190 : f32 to vector<16xf32>
        %mul3A_212 = arith.mulf %get3A_210, %mul3A_211 : vector<16xf32>
        %add3A_213 = arith.addf %add3A_141, %mul3A_212 : vector<16xf32>
        %get3A_214 = arith.index_cast %add3A_188 : i32 to index
        %get3A_215 = arith.constant 48 : index
        %get3A_216 = tpu.vector_load %arg6[%get3A_214, %get3A_215] {strides = array<i32>} : memref<256x64xf32, #tpu.memory_space<vmem>>, vector<1x16xf32>,
        %get3A_217 = vector.shape_cast %get3A_216 : vector<1x16xf32> to vector<16xf32>
        %mul3A_218 = vector.broadcast %squeeze3A_190 : f32 to vector<16xf32>
        %mul3A_219 = arith.mulf %get3A_217, %mul3A_218 : vector<16xf32>
        %add3A_220 = arith.addf %add3A_148, %mul3A_219 : vector<16xf32>
        %add3A_221 = arith.constant 1 : i32
        %add3A_222 = arith.addi %add3A_188, %add3A_221 : i32
        %get3A_223 = arith.index_cast %add3A_222 : i32 to index
        %get3A_224 = arith.constant 0 : index
        %get3A_225 = tpu.vector_load %arg6[%get3A_223, %get3A_224] {strides = array<i32>} : memref<256x64xf32, #tpu.memory_space<vmem>>, vector<1x16xf32>,
        %get3A_226 = vector.shape_cast %get3A_225 : vector<1x16xf32> to vector<16xf32>
        %mul3A_227 = vector.broadcast %squeeze3A_192 : f32 to vector<16xf32>
        %mul3A_228 = arith.mulf %get3A_226, %mul3A_227 : vector<16xf32>
        %add3A_229 = arith.addf %add3A_157, %mul3A_228 : vector<16xf32>
        %add3A_230 = arith.constant 1 : i32
        %add3A_231 = arith.addi %add3A_188, %add3A_230 : i32
        %get3A_232 = arith.index_cast %add3A_231 : i32 to index
        %get3A_233 = arith.constant 16 : index
        %get3A_234 = tpu.vector_load %arg6[%get3A_232, %get3A_233] {strides = array<i32>} : memref<256x64xf32, #tpu.memory_space<vmem>>, vector<1x16xf32>,
        %get3A_235 = vector.shape_cast %get3A_234 : vector<1x16xf32> to vector<16xf32>
        %mul3A_236 = vector.broadcast %squeeze3A_192 : f32 to vector<16xf32>
        %mul3A_237 = arith.mulf %get3A_235, %mul3A_236 : vector<16xf32>
        %add3A_238 = arith.addf %add3A_166, %mul3A_237 : vector<16xf32>
        %add3A_239 = arith.constant 1 : i32
        %add3A_240 = arith.addi %add3A_188, %add3A_239 : i32
        %get3A_241 = arith.index_cast %add3A_240 : i32 to index
        %get3A_242 = arith.constant 32 : index
        %get3A_243 = tpu.vector_load %arg6[%get3A_241, %get3A_242] {strides = array<i32>} : memref<256x64xf32, #tpu.memory_space<vmem>>, vector<1x16xf32>,
        %get3A_244 = vector.shape_cast %get3A_243 : vector<1x16xf32> to vector<16xf32>
        %mul3A_245 = vector.broadcast %squeeze3A_192 : f32 to vector<16xf32>
        %mul3A_246 = arith.mulf %get3A_244, %mul3A_245 : vector<16xf32>
        %add3A_247 = arith.addf %add3A_175, %mul3A_246 : vector<16xf32>
        %add3A_248 = arith.constant 1 : i32
        %add3A_249 = arith.addi %add3A_188, %add3A_248 : i32
        %get3A_250 = arith.index_cast %add3A_249 : i32 to index
        %get3A_251 = arith.constant 48 : index
        %get3A_252 = tpu.vector_load %arg6[%get3A_250, %get3A_251] {strides = array<i32>} : memref<256x64xf32, #tpu.memory_space<vmem>>, vector<1x16xf32>,
        %get3A_253 = vector.shape_cast %get3A_252 : vector<1x16xf32> to vector<16xf32>
        %mul3A_254 = vector.broadcast %squeeze3A_192 : f32 to vector<16xf32>
        %mul3A_255 = arith.mulf %get3A_253, %mul3A_254 : vector<16xf32>
        %add3A_256 = arith.addf %add3A_184, %mul3A_255 : vector<16xf32>
        %mul3A_257 = arith.constant 16 : i32
        %mul3A_258 = arith.muli %scan3A_98, %mul3A_257 : i32
        %add3A_259 = arith.constant 4 : i32
        %add3A_260 = arith.addi %mul3A_258, %add3A_259 : i32
        %slice3A_261 = vector.extract_strided_slice %exp3A {offsets = [4], sizes = [1], strides = [1]} : vector<16xf32> to vector<1xf32>
        %squeeze3A_262 = vector.extract %slice3A_261[0] : f32 from vector<1xf32>
        %slice3A_263 = vector.extract_strided_slice %exp3A {offsets = [5], sizes = [1], strides = [1]} : vector<16xf32> to vector<1xf32>
        %squeeze3A_264 = vector.extract %slice3A_263[0] : f32 from vector<1xf32>
        %get3A_265 = arith.index_cast %add3A_260 : i32 to index
        %get3A_266 = arith.constant 0 : index
        %get3A_267 = tpu.vector_load %arg6[%get3A_265, %get3A_266] {strides = array<i32>} : memref<256x64xf32, #tpu.memory_space<vmem>>, vector<1x16xf32>,
        %get3A_268 = vector.shape_cast %get3A_267 : vector<1x16xf32> to vector<16xf32>
        %mul3A_269 = vector.broadcast %squeeze3A_262 : f32 to vector<16xf32>
        %mul3A_270 = arith.mulf %get3A_268, %mul3A_269 : vector<16xf32>
        %add3A_271 = arith.addf %add3A_199, %mul3A_270 : vector<16xf32>
        %get3A_272 = arith.index_cast %add3A_260 : i32 to index
        %get3A_273 = arith.constant 16 : index
        %get3A_274 = tpu.vector_load %arg6[%get3A_272, %get3A_273] {strides = array<i32>} : memref<256x64xf32, #tpu.memory_space<vmem>>, vector<1x16xf32>,
        %get3A_275 = vector.shape_cast %get3A_274 : vector<1x16xf32> to vector<16xf32>
        %mul3A_276 = vector.broadcast %squeeze3A_262 : f32 to vector<16xf32>
        %mul3A_277 = arith.mulf %get3A_275, %mul3A_276 : vector<16xf32>
        %add3A_278 = arith.addf %add3A_206, %mul3A_277 : vector<16xf32>
        %get3A_279 = arith.index_cast %add3A_260 : i32 to index
        %get3A_280 = arith.constant 32 : index
        %get3A_281 = tpu.vector_load %arg6[%get3A_279, %get3A_280] {strides = array<i32>} : memref<256x64xf32, #tpu.memory_space<vmem>>, vector<1x16xf32>,
        %get3A_282 = vector.shape_cast %get3A_281 : vector<1x16xf32> to vector<16xf32>
        %mul3A_283 = vector.broadcast %squeeze3A_262 : f32 to vector<16xf32>
        %mul3A_284 = arith.mulf %get3A_282, %mul3A_283 : vector<16xf32>
        %add3A_285 = arith.addf %add3A_213, %mul3A_284 : vector<16xf32>
        %get3A_286 = arith.index_cast %add3A_260 : i32 to index
        %get3A_287 = arith.constant 48 : index
        %get3A_288 = tpu.vector_load %arg6[%get3A_286, %get3A_287] {strides = array<i32>} : memref<256x64xf32, #tpu.memory_space<vmem>>, vector<1x16xf32>,
        %get3A_289 = vector.shape_cast %get3A_288 : vector<1x16xf32> to vector<16xf32>
        %mul3A_290 = vector.broadcast %squeeze3A_262 : f32 to vector<16xf32>
        %mul3A_291 = arith.mulf %get3A_289, %mul3A_290 : vector<16xf32>
        %add3A_292 = arith.addf %add3A_220, %mul3A_291 : vector<16xf32>
        %add3A_293 = arith.constant 1 : i32
        %add3A_294 = arith.addi %add3A_260, %add3A_293 : i32
        %get3A_295 = arith.index_cast %add3A_294 : i32 to index
        %get3A_296 = arith.constant 0 : index
        %get3A_297 = tpu.vector_load %arg6[%get3A_295, %get3A_296] {strides = array<i32>} : memref<256x64xf32, #tpu.memory_space<vmem>>, vector<1x16xf32>,
        %get3A_298 = vector.shape_cast %get3A_297 : vector<1x16xf32> to vector<16xf32>
        %mul3A_299 = vector.broadcast %squeeze3A_264 : f32 to vector<16xf32>
        %mul3A_300 = arith.mulf %get3A_298, %mul3A_299 : vector<16xf32>
        %add3A_301 = arith.addf %add3A_229, %mul3A_300 : vector<16xf32>
        %add3A_302 = arith.constant 1 : i32
        %add3A_303 = arith.addi %add3A_260, %add3A_302 : i32
        %get3A_304 = arith.index_cast %add3A_303 : i32 to index
        %get3A_305 = arith.constant 16 : index
        %get3A_306 = tpu.vector_load %arg6[%get3A_304, %get3A_305] {strides = array<i32>} : memref<256x64xf32, #tpu.memory_space<vmem>>, vector<1x16xf32>,
        %get3A_307 = vector.shape_cast %get3A_306 : vector<1x16xf32> to vector<16xf32>
        %mul3A_308 = vector.broadcast %squeeze3A_264 : f32 to vector<16xf32>
        %mul3A_309 = arith.mulf %get3A_307, %mul3A_308 : vector<16xf32>
        %add3A_310 = arith.addf %add3A_238, %mul3A_309 : vector<16xf32>
        %add3A_311 = arith.constant 1 : i32
        %add3A_312 = arith.addi %add3A_260, %add3A_311 : i32
        %get3A_313 = arith.index_cast %add3A_312 : i32 to index
        %get3A_314 = arith.constant 32 : index
        %get3A_315 = tpu.vector_load %arg6[%get3A_313, %get3A_314] {strides = array<i32>} : memref<256x64xf32, #tpu.memory_space<vmem>>, vector<1x16xf32>,
        %get3A_316 = vector.shape_cast %get3A_315 : vector<1x16xf32> to vector<16xf32>
        %mul3A_317 = vector.broadcast %squeeze3A_264 : f32 to vector<16xf32>
        %mul3A_318 = arith.mulf %get3A_316, %mul3A_317 : vector<16xf32>
        %add3A_319 = arith.addf %add3A_247, %mul3A_318 : vector<16xf32>
        %add3A_320 = arith.constant 1 : i32
        %add3A_321 = arith.addi %add3A_260, %add3A_320 : i32
        %get3A_322 = arith.index_cast %add3A_321 : i32 to index
        %get3A_323 = arith.constant 48 : index
        %get3A_324 = tpu.vector_load %arg6[%get3A_322, %get3A_323] {strides = array<i32>} : memref<256x64xf32, #tpu.memory_space<vmem>>, vector<1x16xf32>,
        %get3A_325 = vector.shape_cast %get3A_324 : vector<1x16xf32> to vector<16xf32>
        %mul3A_326 = vector.broadcast %squeeze3A_264 : f32 to vector<16xf32>
        %mul3A_327 = arith.mulf %get3A_325, %mul3A_326 : vector<16xf32>
        %add3A_328 = arith.addf %add3A_256, %mul3A_327 : vector<16xf32>
        %mul3A_329 = arith.constant 16 : i32
        %mul3A_330 = arith.muli %scan3A_98, %mul3A_329 : i32
        %add3A_331 = arith.constant 6 : i32
        %add3A_332 = arith.addi %mul3A_330, %add3A_331 : i32
        %slice3A_333 = vector.extract_strided_slice %exp3A {offsets = [6], sizes = [1], strides = [1]} : vector<16xf32> to vector<1xf32>
        %squeeze3A_334 = vector.extract %slice3A_333[0] : f32 from vector<1xf32>
        %slice3A_335 = vector.extract_strided_slice %exp3A {offsets = [7], sizes = [1], strides = [1]} : vector<16xf32> to vector<1xf32>
        %squeeze3A_336 = vector.extract %slice3A_335[0] : f32 from vector<1xf32>
        %get3A_337 = arith.index_cast %add3A_332 : i32 to index
        %get3A_338 = arith.constant 0 : index
        %get3A_339 = tpu.vector_load %arg6[%get3A_337, %get3A_338] {strides = array<i32>} : memref<256x64xf32, #tpu.memory_space<vmem>>, vector<1x16xf32>,
        %get3A_340 = vector.shape_cast %get3A_339 : vector<1x16xf32> to vector<16xf32>
        %mul3A_341 = vector.broadcast %squeeze3A_334 : f32 to vector<16xf32>
        %mul3A_342 = arith.mulf %get3A_340, %mul3A_341 : vector<16xf32>
        %add3A_343 = arith.addf %add3A_271, %mul3A_342 : vector<16xf32>
        %get3A_344 = arith.index_cast %add3A_332 : i32 to index
        %get3A_345 = arith.constant 16 : index
        %get3A_346 = tpu.vector_load %arg6[%get3A_344, %get3A_345] {strides = array<i32>} : memref<256x64xf32, #tpu.memory_space<vmem>>, vector<1x16xf32>,
        %get3A_347 = vector.shape_cast %get3A_346 : vector<1x16xf32> to vector<16xf32>
        %mul3A_348 = vector.broadcast %squeeze3A_334 : f32 to vector<16xf32>
        %mul3A_349 = arith.mulf %get3A_347, %mul3A_348 : vector<16xf32>
        %add3A_350 = arith.addf %add3A_278, %mul3A_349 : vector<16xf32>
        %get3A_351 = arith.index_cast %add3A_332 : i32 to index
        %get3A_352 = arith.constant 32 : index
        %get3A_353 = tpu.vector_load %arg6[%get3A_351, %get3A_352] {strides = array<i32>} : memref<256x64xf32, #tpu.memory_space<vmem>>, vector<1x16xf32>,
        %get3A_354 = vector.shape_cast %get3A_353 : vector<1x16xf32> to vector<16xf32>
        %mul3A_355 = vector.broadcast %squeeze3A_334 : f32 to vector<16xf32>
        %mul3A_356 = arith.mulf %get3A_354, %mul3A_355 : vector<16xf32>
        %add3A_357 = arith.addf %add3A_285, %mul3A_356 : vector<16xf32>
        %get3A_358 = arith.index_cast %add3A_332 : i32 to index
        %get3A_359 = arith.constant 48 : index
        %get3A_360 = tpu.vector_load %arg6[%get3A_358, %get3A_359] {strides = array<i32>} : memref<256x64xf32, #tpu.memory_space<vmem>>, vector<1x16xf32>,
        %get3A_361 = vector.shape_cast %get3A_360 : vector<1x16xf32> to vector<16xf32>
        %mul3A_362 = vector.broadcast %squeeze3A_334 : f32 to vector<16xf32>
        %mul3A_363 = arith.mulf %get3A_361, %mul3A_362 : vector<16xf32>
        %add3A_364 = arith.addf %add3A_292, %mul3A_363 : vector<16xf32>
        %add3A_365 = arith.constant 1 : i32
        %add3A_366 = arith.addi %add3A_332, %add3A_365 : i32
        %get3A_367 = arith.index_cast %add3A_366 : i32 to index
        %get3A_368 = arith.constant 0 : index
        %get3A_369 = tpu.vector_load %arg6[%get3A_367, %get3A_368] {strides = array<i32>} : memref<256x64xf32, #tpu.memory_space<vmem>>, vector<1x16xf32>,
        %get3A_370 = vector.shape_cast %get3A_369 : vector<1x16xf32> to vector<16xf32>
        %mul3A_371 = vector.broadcast %squeeze3A_336 : f32 to vector<16xf32>
        %mul3A_372 = arith.mulf %get3A_370, %mul3A_371 : vector<16xf32>
        %add3A_373 = arith.addf %add3A_301, %mul3A_372 : vector<16xf32>
        %add3A_374 = arith.constant 1 : i32
        %add3A_375 = arith.addi %add3A_332, %add3A_374 : i32
        %get3A_376 = arith.index_cast %add3A_375 : i32 to index
        %get3A_377 = arith.constant 16 : index
        %get3A_378 = tpu.vector_load %arg6[%get3A_376, %get3A_377] {strides = array<i32>} : memref<256x64xf32, #tpu.memory_space<vmem>>, vector<1x16xf32>,
        %get3A_379 = vector.shape_cast %get3A_378 : vector<1x16xf32> to vector<16xf32>
        %mul3A_380 = vector.broadcast %squeeze3A_336 : f32 to vector<16xf32>
        %mul3A_381 = arith.mulf %get3A_379, %mul3A_380 : vector<16xf32>
        %add3A_382 = arith.addf %add3A_310, %mul3A_381 : vector<16xf32>
        %add3A_383 = arith.constant 1 : i32
        %add3A_384 = arith.addi %add3A_332, %add3A_383 : i32
        %get3A_385 = arith.index_cast %add3A_384 : i32 to index
        %get3A_386 = arith.constant 32 : index
        %get3A_387 = tpu.vector_load %arg6[%get3A_385, %get3A_386] {strides = array<i32>} : memref<256x64xf32, #tpu.memory_space<vmem>>, vector<1x16xf32>,
        %get3A_388 = vector.shape_cast %get3A_387 : vector<1x16xf32> to vector<16xf32>
        %mul3A_389 = vector.broadcast %squeeze3A_336 : f32 to vector<16xf32>
        %mul3A_390 = arith.mulf %get3A_388, %mul3A_389 : vector<16xf32>
        %add3A_391 = arith.addf %add3A_319, %mul3A_390 : vector<16xf32>
        %add3A_392 = arith.constant 1 : i32
        %add3A_393 = arith.addi %add3A_332, %add3A_392 : i32
        %get3A_394 = arith.index_cast %add3A_393 : i32 to index
        %get3A_395 = arith.constant 48 : index
        %get3A_396 = tpu.vector_load %arg6[%get3A_394, %get3A_395] {strides = array<i32>} : memref<256x64xf32, #tpu.memory_space<vmem>>, vector<1x16xf32>,
        %get3A_397 = vector.shape_cast %get3A_396 : vector<1x16xf32> to vector<16xf32>
        %mul3A_398 = vector.broadcast %squeeze3A_336 : f32 to vector<16xf32>
        %mul3A_399 = arith.mulf %get3A_397, %mul3A_398 : vector<16xf32>
        %add3A_400 = arith.addf %add3A_328, %mul3A_399 : vector<16xf32>
        %mul3A_401 = arith.constant 16 : i32
        %mul3A_402 = arith.muli %scan3A_98, %mul3A_401 : i32
        %add3A_403 = arith.constant 8 : i32
        %add3A_404 = arith.addi %mul3A_402, %add3A_403 : i32
        %slice3A_405 = vector.extract_strided_slice %exp3A {offsets = [8], sizes = [1], strides = [1]} : vector<16xf32> to vector<1xf32>
        %squeeze3A_406 = vector.extract %slice3A_405[0] : f32 from vector<1xf32>
        %slice3A_407 = vector.extract_strided_slice %exp3A {offsets = [9], sizes = [1], strides = [1]} : vector<16xf32> to vector<1xf32>
        %squeeze3A_408 = vector.extract %slice3A_407[0] : f32 from vector<1xf32>
        %get3A_409 = arith.index_cast %add3A_404 : i32 to index
        %get3A_410 = arith.constant 0 : index
        %get3A_411 = tpu.vector_load %arg6[%get3A_409, %get3A_410] {strides = array<i32>} : memref<256x64xf32, #tpu.memory_space<vmem>>, vector<1x16xf32>,
        %get3A_412 = vector.shape_cast %get3A_411 : vector<1x16xf32> to vector<16xf32>
        %mul3A_413 = vector.broadcast %squeeze3A_406 : f32 to vector<16xf32>
        %mul3A_414 = arith.mulf %get3A_412, %mul3A_413 : vector<16xf32>
        %add3A_415 = arith.addf %add3A_343, %mul3A_414 : vector<16xf32>
        %get3A_416 = arith.index_cast %add3A_404 : i32 to index
        %get3A_417 = arith.constant 16 : index
        %get3A_418 = tpu.vector_load %arg6[%get3A_416, %get3A_417] {strides = array<i32>} : memref<256x64xf32, #tpu.memory_space<vmem>>, vector<1x16xf32>,
        %get3A_419 = vector.shape_cast %get3A_418 : vector<1x16xf32> to vector<16xf32>
        %mul3A_420 = vector.broadcast %squeeze3A_406 : f32 to vector<16xf32>
        %mul3A_421 = arith.mulf %get3A_419, %mul3A_420 : vector<16xf32>
        %add3A_422 = arith.addf %add3A_350, %mul3A_421 : vector<16xf32>
        %get3A_423 = arith.index_cast %add3A_404 : i32 to index
        %get3A_424 = arith.constant 32 : index
        %get3A_425 = tpu.vector_load %arg6[%get3A_423, %get3A_424] {strides = array<i32>} : memref<256x64xf32, #tpu.memory_space<vmem>>, vector<1x16xf32>,
        %get3A_426 = vector.shape_cast %get3A_425 : vector<1x16xf32> to vector<16xf32>
        %mul3A_427 = vector.broadcast %squeeze3A_406 : f32 to vector<16xf32>
        %mul3A_428 = arith.mulf %get3A_426, %mul3A_427 : vector<16xf32>
        %add3A_429 = arith.addf %add3A_357, %mul3A_428 : vector<16xf32>
        %get3A_430 = arith.index_cast %add3A_404 : i32 to index
        %get3A_431 = arith.constant 48 : index
        %get3A_432 = tpu.vector_load %arg6[%get3A_430, %get3A_431] {strides = array<i32>} : memref<256x64xf32, #tpu.memory_space<vmem>>, vector<1x16xf32>,
        %get3A_433 = vector.shape_cast %get3A_432 : vector<1x16xf32> to vector<16xf32>
        %mul3A_434 = vector.broadcast %squeeze3A_406 : f32 to vector<16xf32>
        %mul3A_435 = arith.mulf %get3A_433, %mul3A_434 : vector<16xf32>
        %add3A_436 = arith.addf %add3A_364, %mul3A_435 : vector<16xf32>
        %add3A_437 = arith.constant 1 : i32
        %add3A_438 = arith.addi %add3A_404, %add3A_437 : i32
        %get3A_439 = arith.index_cast %add3A_438 : i32 to index
        %get3A_440 = arith.constant 0 : index
        %get3A_441 = tpu.vector_load %arg6[%get3A_439, %get3A_440] {strides = array<i32>} : memref<256x64xf32, #tpu.memory_space<vmem>>, vector<1x16xf32>,
        %get3A_442 = vector.shape_cast %get3A_441 : vector<1x16xf32> to vector<16xf32>
        %mul3A_443 = vector.broadcast %squeeze3A_408 : f32 to vector<16xf32>
        %mul3A_444 = arith.mulf %get3A_442, %mul3A_443 : vector<16xf32>
        %add3A_445 = arith.addf %add3A_373, %mul3A_444 : vector<16xf32>
        %add3A_446 = arith.constant 1 : i32
        %add3A_447 = arith.addi %add3A_404, %add3A_446 : i32
        %get3A_448 = arith.index_cast %add3A_447 : i32 to index
        %get3A_449 = arith.constant 16 : index
        %get3A_450 = tpu.vector_load %arg6[%get3A_448, %get3A_449] {strides = array<i32>} : memref<256x64xf32, #tpu.memory_space<vmem>>, vector<1x16xf32>,
        %get3A_451 = vector.shape_cast %get3A_450 : vector<1x16xf32> to vector<16xf32>
        %mul3A_452 = vector.broadcast %squeeze3A_408 : f32 to vector<16xf32>
        %mul3A_453 = arith.mulf %get3A_451, %mul3A_452 : vector<16xf32>
        %add3A_454 = arith.addf %add3A_382, %mul3A_453 : vector<16xf32>
        %add3A_455 = arith.constant 1 : i32
        %add3A_456 = arith.addi %add3A_404, %add3A_455 : i32
        %get3A_457 = arith.index_cast %add3A_456 : i32 to index
        %get3A_458 = arith.constant 32 : index
        %get3A_459 = tpu.vector_load %arg6[%get3A_457, %get3A_458] {strides = array<i32>} : memref<256x64xf32, #tpu.memory_space<vmem>>, vector<1x16xf32>,
        %get3A_460 = vector.shape_cast %get3A_459 : vector<1x16xf32> to vector<16xf32>
        %mul3A_461 = vector.broadcast %squeeze3A_408 : f32 to vector<16xf32>
        %mul3A_462 = arith.mulf %get3A_460, %mul3A_461 : vector<16xf32>
        %add3A_463 = arith.addf %add3A_391, %mul3A_462 : vector<16xf32>
        %add3A_464 = arith.constant 1 : i32
        %add3A_465 = arith.addi %add3A_404, %add3A_464 : i32
        %get3A_466 = arith.index_cast %add3A_465 : i32 to index
        %get3A_467 = arith.constant 48 : index
        %get3A_468 = tpu.vector_load %arg6[%get3A_466, %get3A_467] {strides = array<i32>} : memref<256x64xf32, #tpu.memory_space<vmem>>, vector<1x16xf32>,
        %get3A_469 = vector.shape_cast %get3A_468 : vector<1x16xf32> to vector<16xf32>
        %mul3A_470 = vector.broadcast %squeeze3A_408 : f32 to vector<16xf32>
        %mul3A_471 = arith.mulf %get3A_469, %mul3A_470 : vector<16xf32>
        %add3A_472 = arith.addf %add3A_400, %mul3A_471 : vector<16xf32>
        %mul3A_473 = arith.constant 16 : i32
        %mul3A_474 = arith.muli %scan3A_98, %mul3A_473 : i32
        %add3A_475 = arith.constant 10 : i32
        %add3A_476 = arith.addi %mul3A_474, %add3A_475 : i32
        %slice3A_477 = vector.extract_strided_slice %exp3A {offsets = [10], sizes = [1], strides = [1]} : vector<16xf32> to vector<1xf32>
        %squeeze3A_478 = vector.extract %slice3A_477[0] : f32 from vector<1xf32>
        %slice3A_479 = vector.extract_strided_slice %exp3A {offsets = [11], sizes = [1], strides = [1]} : vector<16xf32> to vector<1xf32>
        %squeeze3A_480 = vector.extract %slice3A_479[0] : f32 from vector<1xf32>
        %get3A_481 = arith.index_cast %add3A_476 : i32 to index
        %get3A_482 = arith.constant 0 : index
        %get3A_483 = tpu.vector_load %arg6[%get3A_481, %get3A_482] {strides = array<i32>} : memref<256x64xf32, #tpu.memory_space<vmem>>, vector<1x16xf32>,
        %get3A_484 = vector.shape_cast %get3A_483 : vector<1x16xf32> to vector<16xf32>
        %mul3A_485 = vector.broadcast %squeeze3A_478 : f32 to vector<16xf32>
        %mul3A_486 = arith.mulf %get3A_484, %mul3A_485 : vector<16xf32>
        %add3A_487 = arith.addf %add3A_415, %mul3A_486 : vector<16xf32>
        %get3A_488 = arith.index_cast %add3A_476 : i32 to index
        %get3A_489 = arith.constant 16 : index
        %get3A_490 = tpu.vector_load %arg6[%get3A_488, %get3A_489] {strides = array<i32>} : memref<256x64xf32, #tpu.memory_space<vmem>>, vector<1x16xf32>,
        %get3A_491 = vector.shape_cast %get3A_490 : vector<1x16xf32> to vector<16xf32>
        %mul3A_492 = vector.broadcast %squeeze3A_478 : f32 to vector<16xf32>
        %mul3A_493 = arith.mulf %get3A_491, %mul3A_492 : vector<16xf32>
        %add3A_494 = arith.addf %add3A_422, %mul3A_493 : vector<16xf32>
        %get3A_495 = arith.index_cast %add3A_476 : i32 to index
        %get3A_496 = arith.constant 32 : index
        %get3A_497 = tpu.vector_load %arg6[%get3A_495, %get3A_496] {strides = array<i32>} : memref<256x64xf32, #tpu.memory_space<vmem>>, vector<1x16xf32>,
        %get3A_498 = vector.shape_cast %get3A_497 : vector<1x16xf32> to vector<16xf32>
        %mul3A_499 = vector.broadcast %squeeze3A_478 : f32 to vector<16xf32>
        %mul3A_500 = arith.mulf %get3A_498, %mul3A_499 : vector<16xf32>
        %add3A_501 = arith.addf %add3A_429, %mul3A_500 : vector<16xf32>
        %get3A_502 = arith.index_cast %add3A_476 : i32 to index
        %get3A_503 = arith.constant 48 : index
        %get3A_504 = tpu.vector_load %arg6[%get3A_502, %get3A_503] {strides = array<i32>} : memref<256x64xf32, #tpu.memory_space<vmem>>, vector<1x16xf32>,
        %get3A_505 = vector.shape_cast %get3A_504 : vector<1x16xf32> to vector<16xf32>
        %mul3A_506 = vector.broadcast %squeeze3A_478 : f32 to vector<16xf32>
        %mul3A_507 = arith.mulf %get3A_505, %mul3A_506 : vector<16xf32>
        %add3A_508 = arith.addf %add3A_436, %mul3A_507 : vector<16xf32>
        %add3A_509 = arith.constant 1 : i32
        %add3A_510 = arith.addi %add3A_476, %add3A_509 : i32
        %get3A_511 = arith.index_cast %add3A_510 : i32 to index
        %get3A_512 = arith.constant 0 : index
        %get3A_513 = tpu.vector_load %arg6[%get3A_511, %get3A_512] {strides = array<i32>} : memref<256x64xf32, #tpu.memory_space<vmem>>, vector<1x16xf32>,
        %get3A_514 = vector.shape_cast %get3A_513 : vector<1x16xf32> to vector<16xf32>
        %mul3A_515 = vector.broadcast %squeeze3A_480 : f32 to vector<16xf32>
        %mul3A_516 = arith.mulf %get3A_514, %mul3A_515 : vector<16xf32>
        %add3A_517 = arith.addf %add3A_445, %mul3A_516 : vector<16xf32>
        %add3A_518 = arith.constant 1 : i32
        %add3A_519 = arith.addi %add3A_476, %add3A_518 : i32
        %get3A_520 = arith.index_cast %add3A_519 : i32 to index
        %get3A_521 = arith.constant 16 : index
        %get3A_522 = tpu.vector_load %arg6[%get3A_520, %get3A_521] {strides = array<i32>} : memref<256x64xf32, #tpu.memory_space<vmem>>, vector<1x16xf32>,
        %get3A_523 = vector.shape_cast %get3A_522 : vector<1x16xf32> to vector<16xf32>
        %mul3A_524 = vector.broadcast %squeeze3A_480 : f32 to vector<16xf32>
        %mul3A_525 = arith.mulf %get3A_523, %mul3A_524 : vector<16xf32>
        %add3A_526 = arith.addf %add3A_454, %mul3A_525 : vector<16xf32>
        %add3A_527 = arith.constant 1 : i32
        %add3A_528 = arith.addi %add3A_476, %add3A_527 : i32
        %get3A_529 = arith.index_cast %add3A_528 : i32 to index
        %get3A_530 = arith.constant 32 : index
        %get3A_531 = tpu.vector_load %arg6[%get3A_529, %get3A_530] {strides = array<i32>} : memref<256x64xf32, #tpu.memory_space<vmem>>, vector<1x16xf32>,
        %get3A_532 = vector.shape_cast %get3A_531 : vector<1x16xf32> to vector<16xf32>
        %mul3A_533 = vector.broadcast %squeeze3A_480 : f32 to vector<16xf32>
        %mul3A_534 = arith.mulf %get3A_532, %mul3A_533 : vector<16xf32>
        %add3A_535 = arith.addf %add3A_463, %mul3A_534 : vector<16xf32>
        %add3A_536 = arith.constant 1 : i32
        %add3A_537 = arith.addi %add3A_476, %add3A_536 : i32
        %get3A_538 = arith.index_cast %add3A_537 : i32 to index
        %get3A_539 = arith.constant 48 : index
        %get3A_540 = tpu.vector_load %arg6[%get3A_538, %get3A_539] {strides = array<i32>} : memref<256x64xf32, #tpu.memory_space<vmem>>, vector<1x16xf32>,
        %get3A_541 = vector.shape_cast %get3A_540 : vector<1x16xf32> to vector<16xf32>
        %mul3A_542 = vector.broadcast %squeeze3A_480 : f32 to vector<16xf32>
        %mul3A_543 = arith.mulf %get3A_541, %mul3A_542 : vector<16xf32>
        %add3A_544 = arith.addf %add3A_472, %mul3A_543 : vector<16xf32>
        %mul3A_545 = arith.constant 16 : i32
        %mul3A_546 = arith.muli %scan3A_98, %mul3A_545 : i32
        %add3A_547 = arith.constant 12 : i32
        %add3A_548 = arith.addi %mul3A_546, %add3A_547 : i32
        %slice3A_549 = vector.extract_strided_slice %exp3A {offsets = [12], sizes = [1], strides = [1]} : vector<16xf32> to vector<1xf32>
        %squeeze3A_550 = vector.extract %slice3A_549[0] : f32 from vector<1xf32>
        %slice3A_551 = vector.extract_strided_slice %exp3A {offsets = [13], sizes = [1], strides = [1]} : vector<16xf32> to vector<1xf32>
        %squeeze3A_552 = vector.extract %slice3A_551[0] : f32 from vector<1xf32>
        %get3A_553 = arith.index_cast %add3A_548 : i32 to index
        %get3A_554 = arith.constant 0 : index
        %get3A_555 = tpu.vector_load %arg6[%get3A_553, %get3A_554] {strides = array<i32>} : memref<256x64xf32, #tpu.memory_space<vmem>>, vector<1x16xf32>,
        %get3A_556 = vector.shape_cast %get3A_555 : vector<1x16xf32> to vector<16xf32>
        %mul3A_557 = vector.broadcast %squeeze3A_550 : f32 to vector<16xf32>
        %mul3A_558 = arith.mulf %get3A_556, %mul3A_557 : vector<16xf32>
        %add3A_559 = arith.addf %add3A_487, %mul3A_558 : vector<16xf32>
        %get3A_560 = arith.index_cast %add3A_548 : i32 to index
        %get3A_561 = arith.constant 16 : index
        %get3A_562 = tpu.vector_load %arg6[%get3A_560, %get3A_561] {strides = array<i32>} : memref<256x64xf32, #tpu.memory_space<vmem>>, vector<1x16xf32>,
        %get3A_563 = vector.shape_cast %get3A_562 : vector<1x16xf32> to vector<16xf32>
        %mul3A_564 = vector.broadcast %squeeze3A_550 : f32 to vector<16xf32>
        %mul3A_565 = arith.mulf %get3A_563, %mul3A_564 : vector<16xf32>
        %add3A_566 = arith.addf %add3A_494, %mul3A_565 : vector<16xf32>
        %get3A_567 = arith.index_cast %add3A_548 : i32 to index
        %get3A_568 = arith.constant 32 : index
        %get3A_569 = tpu.vector_load %arg6[%get3A_567, %get3A_568] {strides = array<i32>} : memref<256x64xf32, #tpu.memory_space<vmem>>, vector<1x16xf32>,
        %get3A_570 = vector.shape_cast %get3A_569 : vector<1x16xf32> to vector<16xf32>
        %mul3A_571 = vector.broadcast %squeeze3A_550 : f32 to vector<16xf32>
        %mul3A_572 = arith.mulf %get3A_570, %mul3A_571 : vector<16xf32>
        %add3A_573 = arith.addf %add3A_501, %mul3A_572 : vector<16xf32>
        %get3A_574 = arith.index_cast %add3A_548 : i32 to index
        %get3A_575 = arith.constant 48 : index
        %get3A_576 = tpu.vector_load %arg6[%get3A_574, %get3A_575] {strides = array<i32>} : memref<256x64xf32, #tpu.memory_space<vmem>>, vector<1x16xf32>,
        %get3A_577 = vector.shape_cast %get3A_576 : vector<1x16xf32> to vector<16xf32>
        %mul3A_578 = vector.broadcast %squeeze3A_550 : f32 to vector<16xf32>
        %mul3A_579 = arith.mulf %get3A_577, %mul3A_578 : vector<16xf32>
        %add3A_580 = arith.addf %add3A_508, %mul3A_579 : vector<16xf32>
        %add3A_581 = arith.constant 1 : i32
        %add3A_582 = arith.addi %add3A_548, %add3A_581 : i32
        %get3A_583 = arith.index_cast %add3A_582 : i32 to index
        %get3A_584 = arith.constant 0 : index
        %get3A_585 = tpu.vector_load %arg6[%get3A_583, %get3A_584] {strides = array<i32>} : memref<256x64xf32, #tpu.memory_space<vmem>>, vector<1x16xf32>,
        %get3A_586 = vector.shape_cast %get3A_585 : vector<1x16xf32> to vector<16xf32>
        %mul3A_587 = vector.broadcast %squeeze3A_552 : f32 to vector<16xf32>
        %mul3A_588 = arith.mulf %get3A_586, %mul3A_587 : vector<16xf32>
        %add3A_589 = arith.addf %add3A_517, %mul3A_588 : vector<16xf32>
        %add3A_590 = arith.constant 1 : i32
        %add3A_591 = arith.addi %add3A_548, %add3A_590 : i32
        %get3A_592 = arith.index_cast %add3A_591 : i32 to index
        %get3A_593 = arith.constant 16 : index
        %get3A_594 = tpu.vector_load %arg6[%get3A_592, %get3A_593] {strides = array<i32>} : memref<256x64xf32, #tpu.memory_space<vmem>>, vector<1x16xf32>,
        %get3A_595 = vector.shape_cast %get3A_594 : vector<1x16xf32> to vector<16xf32>
        %mul3A_596 = vector.broadcast %squeeze3A_552 : f32 to vector<16xf32>
        %mul3A_597 = arith.mulf %get3A_595, %mul3A_596 : vector<16xf32>
        %add3A_598 = arith.addf %add3A_526, %mul3A_597 : vector<16xf32>
        %add3A_599 = arith.constant 1 : i32
        %add3A_600 = arith.addi %add3A_548, %add3A_599 : i32
        %get3A_601 = arith.index_cast %add3A_600 : i32 to index
        %get3A_602 = arith.constant 32 : index
        %get3A_603 = tpu.vector_load %arg6[%get3A_601, %get3A_602] {strides = array<i32>} : memref<256x64xf32, #tpu.memory_space<vmem>>, vector<1x16xf32>,
        %get3A_604 = vector.shape_cast %get3A_603 : vector<1x16xf32> to vector<16xf32>
        %mul3A_605 = vector.broadcast %squeeze3A_552 : f32 to vector<16xf32>
        %mul3A_606 = arith.mulf %get3A_604, %mul3A_605 : vector<16xf32>
        %add3A_607 = arith.addf %add3A_535, %mul3A_606 : vector<16xf32>
        %add3A_608 = arith.constant 1 : i32
        %add3A_609 = arith.addi %add3A_548, %add3A_608 : i32
        %get3A_610 = arith.index_cast %add3A_609 : i32 to index
        %get3A_611 = arith.constant 48 : index
        %get3A_612 = tpu.vector_load %arg6[%get3A_610, %get3A_611] {strides = array<i32>} : memref<256x64xf32, #tpu.memory_space<vmem>>, vector<1x16xf32>,
        %get3A_613 = vector.shape_cast %get3A_612 : vector<1x16xf32> to vector<16xf32>
        %mul3A_614 = vector.broadcast %squeeze3A_552 : f32 to vector<16xf32>
        %mul3A_615 = arith.mulf %get3A_613, %mul3A_614 : vector<16xf32>
        %add3A_616 = arith.addf %add3A_544, %mul3A_615 : vector<16xf32>
        %mul3A_617 = arith.constant 16 : i32
        %mul3A_618 = arith.muli %scan3A_98, %mul3A_617 : i32
        %add3A_619 = arith.constant 14 : i32
        %add3A_620 = arith.addi %mul3A_618, %add3A_619 : i32
        %slice3A_621 = vector.extract_strided_slice %exp3A {offsets = [14], sizes = [1], strides = [1]} : vector<16xf32> to vector<1xf32>
        %squeeze3A_622 = vector.extract %slice3A_621[0] : f32 from vector<1xf32>
        %slice3A_623 = vector.extract_strided_slice %exp3A {offsets = [15], sizes = [1], strides = [1]} : vector<16xf32> to vector<1xf32>
        %squeeze3A_624 = vector.extract %slice3A_623[0] : f32 from vector<1xf32>
        %get3A_625 = arith.index_cast %add3A_620 : i32 to index
        %get3A_626 = arith.constant 0 : index
        %get3A_627 = tpu.vector_load %arg6[%get3A_625, %get3A_626] {strides = array<i32>} : memref<256x64xf32, #tpu.memory_space<vmem>>, vector<1x16xf32>,
        %get3A_628 = vector.shape_cast %get3A_627 : vector<1x16xf32> to vector<16xf32>
        %mul3A_629 = vector.broadcast %squeeze3A_622 : f32 to vector<16xf32>
        %mul3A_630 = arith.mulf %get3A_628, %mul3A_629 : vector<16xf32>
        %add3A_631 = arith.addf %add3A_559, %mul3A_630 : vector<16xf32>
        %get3A_632 = arith.index_cast %add3A_620 : i32 to index
        %get3A_633 = arith.constant 16 : index
        %get3A_634 = tpu.vector_load %arg6[%get3A_632, %get3A_633] {strides = array<i32>} : memref<256x64xf32, #tpu.memory_space<vmem>>, vector<1x16xf32>,
        %get3A_635 = vector.shape_cast %get3A_634 : vector<1x16xf32> to vector<16xf32>
        %mul3A_636 = vector.broadcast %squeeze3A_622 : f32 to vector<16xf32>
        %mul3A_637 = arith.mulf %get3A_635, %mul3A_636 : vector<16xf32>
        %add3A_638 = arith.addf %add3A_566, %mul3A_637 : vector<16xf32>
        %get3A_639 = arith.index_cast %add3A_620 : i32 to index
        %get3A_640 = arith.constant 32 : index
        %get3A_641 = tpu.vector_load %arg6[%get3A_639, %get3A_640] {strides = array<i32>} : memref<256x64xf32, #tpu.memory_space<vmem>>, vector<1x16xf32>,
        %get3A_642 = vector.shape_cast %get3A_641 : vector<1x16xf32> to vector<16xf32>
        %mul3A_643 = vector.broadcast %squeeze3A_622 : f32 to vector<16xf32>
        %mul3A_644 = arith.mulf %get3A_642, %mul3A_643 : vector<16xf32>
        %add3A_645 = arith.addf %add3A_573, %mul3A_644 : vector<16xf32>
        %get3A_646 = arith.index_cast %add3A_620 : i32 to index
        %get3A_647 = arith.constant 48 : index
        %get3A_648 = tpu.vector_load %arg6[%get3A_646, %get3A_647] {strides = array<i32>} : memref<256x64xf32, #tpu.memory_space<vmem>>, vector<1x16xf32>,
        %get3A_649 = vector.shape_cast %get3A_648 : vector<1x16xf32> to vector<16xf32>
        %mul3A_650 = vector.broadcast %squeeze3A_622 : f32 to vector<16xf32>
        %mul3A_651 = arith.mulf %get3A_649, %mul3A_650 : vector<16xf32>
        %add3A_652 = arith.addf %add3A_580, %mul3A_651 : vector<16xf32>
        %add3A_653 = arith.constant 1 : i32
        %add3A_654 = arith.addi %add3A_620, %add3A_653 : i32
        %get3A_655 = arith.index_cast %add3A_654 : i32 to index
        %get3A_656 = arith.constant 0 : index
        %get3A_657 = tpu.vector_load %arg6[%get3A_655, %get3A_656] {strides = array<i32>} : memref<256x64xf32, #tpu.memory_space<vmem>>, vector<1x16xf32>,
        %get3A_658 = vector.shape_cast %get3A_657 : vector<1x16xf32> to vector<16xf32>
        %mul3A_659 = vector.broadcast %squeeze3A_624 : f32 to vector<16xf32>
        %mul3A_660 = arith.mulf %get3A_658, %mul3A_659 : vector<16xf32>
        %add3A_661 = arith.addf %add3A_589, %mul3A_660 : vector<16xf32>
        %add3A_662 = arith.constant 1 : i32
        %add3A_663 = arith.addi %add3A_620, %add3A_662 : i32
        %get3A_664 = arith.index_cast %add3A_663 : i32 to index
        %get3A_665 = arith.constant 16 : index
        %get3A_666 = tpu.vector_load %arg6[%get3A_664, %get3A_665] {strides = array<i32>} : memref<256x64xf32, #tpu.memory_space<vmem>>, vector<1x16xf32>,
        %get3A_667 = vector.shape_cast %get3A_666 : vector<1x16xf32> to vector<16xf32>
        %mul3A_668 = vector.broadcast %squeeze3A_624 : f32 to vector<16xf32>
        %mul3A_669 = arith.mulf %get3A_667, %mul3A_668 : vector<16xf32>
        %add3A_670 = arith.addf %add3A_598, %mul3A_669 : vector<16xf32>
        %add3A_671 = arith.constant 1 : i32
        %add3A_672 = arith.addi %add3A_620, %add3A_671 : i32
        %get3A_673 = arith.index_cast %add3A_672 : i32 to index
        %get3A_674 = arith.constant 32 : index
        %get3A_675 = tpu.vector_load %arg6[%get3A_673, %get3A_674] {strides = array<i32>} : memref<256x64xf32, #tpu.memory_space<vmem>>, vector<1x16xf32>,
        %get3A_676 = vector.shape_cast %get3A_675 : vector<1x16xf32> to vector<16xf32>
        %mul3A_677 = vector.broadcast %squeeze3A_624 : f32 to vector<16xf32>
        %mul3A_678 = arith.mulf %get3A_676, %mul3A_677 : vector<16xf32>
        %add3A_679 = arith.addf %add3A_607, %mul3A_678 : vector<16xf32>
        %add3A_680 = arith.constant 1 : i32
        %add3A_681 = arith.addi %add3A_620, %add3A_680 : i32
        %get3A_682 = arith.index_cast %add3A_681 : i32 to index
        %get3A_683 = arith.constant 48 : index
        %get3A_684 = tpu.vector_load %arg6[%get3A_682, %get3A_683] {strides = array<i32>} : memref<256x64xf32, #tpu.memory_space<vmem>>, vector<1x16xf32>,
        %get3A_685 = vector.shape_cast %get3A_684 : vector<1x16xf32> to vector<16xf32>
        %mul3A_686 = vector.broadcast %squeeze3A_624 : f32 to vector<16xf32>
        %mul3A_687 = arith.mulf %get3A_685, %mul3A_686 : vector<16xf32>
        %add3A_688 = arith.addf %add3A_616, %mul3A_687 : vector<16xf32>
        scf.yield %add3A_631, %add3A_638, %add3A_645, %add3A_652, %add3A_661, %add3A_670, %add3A_679, %add3A_688 : vector<16xf32>, vector<16xf32>, vector<16xf32>, vector<16xf32>, vector<16xf32>, vector<16xf32>, vector<16xf32>, vector<16xf32>
      }
      %scan3A_90 = arith.constant 16 : i32
      %add3A_91 = arith.constant 2 : i32
      %add3A_92 = arith.addi %add3A_76, %add3A_91 : i32
      %lt3A_93 = arith.constant 128 : i32
      %lt3A_94 = arith.cmpi slt, %add3A_92, %lt3A_93 : i32
      %convert_element_type3A_95 = arith.extui %lt3A_94 : i1 to i32
      %cond3A_96 = arith.constant 0 : i32
      %cond3A_97 = arith.cmpi ne, %convert_element_type3A_95, %cond3A_96 : i32
      scf.if %cond3A_97 {
        %add3A_98 = arith.constant 2 : i32
        %add3A_99 = arith.addi %add3A_76, %add3A_98 : i32
        %mul3A_100 = arith.constant 256 : i32
        %mul3A_101 = arith.muli %add3A_99, %mul3A_100 : i32
        %add3A_102 = arith.addi %mul3A_2, %mul3A_101 : i32
        %dma_start3A_103 = arith.constant 0 : i32
        %dma_start3A_104 = tpu.memref_slice %arg2[%add3A_102, %dma_start3A_103] : memref<1048576x64xf32, #tpu.memory_space<hbm>> -> memref<256x64xf32, #tpu.memory_space<hbm>>
        %dma_start3A_105 = arith.constant 0 : i32
        %dma_start3A_106 = tpu.memref_slice %arg2[%add3A_102, %dma_start3A_105] : memref<1048576x64xf32, #tpu.memory_space<hbm>> -> memref<256x64xf32, #tpu.memory_space<hbm>>
        tpu.enqueue_dma source(%dma_start3A_106 : memref<256x64xf32, #tpu.memory_space<hbm>>) target(%arg6 : memref<256x64xf32, #tpu.memory_space<vmem>>) target_semaphore(%arg10 : memref<!tpu.dma_semaphore, #tpu.memory_space<semaphore_mem>>)
      } else {
      }
      scf.yield %scan3A_89#0, %scan3A_89#1, %scan3A_89#2, %scan3A_89#3, %scan3A_89#4, %scan3A_89#5, %scan3A_89#6, %scan3A_89#7 : vector<16xf32>, vector<16xf32>, vector<16xf32>, vector<16xf32>, vector<16xf32>, vector<16xf32>, vector<16xf32>, vector<16xf32>
    }
    %scan3A_22 = arith.constant 32 : i32
    %add3A_23 = arith.addf %scan3A_21#0, %scan3A_21#4 : vector<16xf32>
    %swap3A = arith.constant 0 : index
    %swap3A_24 = tpu.vector_load %arg8[%swap3A] {strides = array<i32>} : memref<64xf32, #tpu.memory_space<vmem>>, vector<16xf32>,
    %swap3A_25 = vector.shape_cast %swap3A_24 : vector<16xf32> to vector<16xf32>
    %swap3A_26 = vector.shape_cast %add3A_23 : vector<16xf32> to vector<16xf32>
    tpu.vector_store %arg8[%swap3A], %swap3A_26 {strides = array<i32>} : memref<64xf32, #tpu.memory_space<vmem>>, vector<16xf32>,
    %add3A_27 = arith.addf %scan3A_21#1, %scan3A_21#5 : vector<16xf32>
    %swap3A_28 = arith.constant 16 : index
    %swap3A_29 = tpu.vector_load %arg8[%swap3A_28] {strides = array<i32>} : memref<64xf32, #tpu.memory_space<vmem>>, vector<16xf32>,
    %swap3A_30 = vector.shape_cast %swap3A_29 : vector<16xf32> to vector<16xf32>
    %swap3A_31 = vector.shape_cast %add3A_27 : vector<16xf32> to vector<16xf32>
    tpu.vector_store %arg8[%swap3A_28], %swap3A_31 {strides = array<i32>} : memref<64xf32, #tpu.memory_space<vmem>>, vector<16xf32>,
    %add3A_32 = arith.addf %scan3A_21#2, %scan3A_21#6 : vector<16xf32>
    %swap3A_33 = arith.constant 32 : index
    %swap3A_34 = tpu.vector_load %arg8[%swap3A_33] {strides = array<i32>} : memref<64xf32, #tpu.memory_space<vmem>>, vector<16xf32>,
    %swap3A_35 = vector.shape_cast %swap3A_34 : vector<16xf32> to vector<16xf32>
    %swap3A_36 = vector.shape_cast %add3A_32 : vector<16xf32> to vector<16xf32>
    tpu.vector_store %arg8[%swap3A_33], %swap3A_36 {strides = array<i32>} : memref<64xf32, #tpu.memory_space<vmem>>, vector<16xf32>,
    %add3A_37 = arith.addf %scan3A_21#3, %scan3A_21#7 : vector<16xf32>
    %swap3A_38 = arith.constant 48 : index
    %swap3A_39 = tpu.vector_load %arg8[%swap3A_38] {strides = array<i32>} : memref<64xf32, #tpu.memory_space<vmem>>, vector<16xf32>,
    %swap3A_40 = vector.shape_cast %swap3A_39 : vector<16xf32> to vector<16xf32>
    %swap3A_41 = vector.shape_cast %add3A_37 : vector<16xf32> to vector<16xf32>
    tpu.vector_store %arg8[%swap3A_38], %swap3A_41 {strides = array<i32>} : memref<64xf32, #tpu.memory_space<vmem>>, vector<16xf32>,
    "tpu.region"() ({
      %run_scoped3A = tpu.sem_alloc : memref<!tpu.dma_semaphore, #tpu.memory_space<semaphore_mem>>
      %dma_start3A_42 = arith.constant 0 : i32
      %dma_start3A_43 = tpu.memref_slice %arg4[%add3A, %dma_start3A_42] : memref<32x64xf32, #tpu.memory_space<hbm>> -> memref<1x64xf32, #tpu.memory_space<hbm>>
      %dma_start3A_44 = tpu.memref_squeeze %dma_start3A_43 : memref<1x64xf32, #tpu.memory_space<hbm>> -> memref<64xf32, #tpu.memory_space<hbm>>
      %dma_start3A_45 = arith.constant 0 : i32
      %dma_start3A_46 = tpu.memref_slice %arg4[%add3A, %dma_start3A_45] : memref<32x64xf32, #tpu.memory_space<hbm>> -> memref<1x64xf32, #tpu.memory_space<hbm>>
      %dma_start3A_47 = tpu.memref_squeeze %dma_start3A_46 : memref<1x64xf32, #tpu.memory_space<hbm>> -> memref<64xf32, #tpu.memory_space<hbm>>
      tpu.enqueue_dma source(%arg8 : memref<64xf32, #tpu.memory_space<vmem>>) target(%dma_start3A_47 : memref<64xf32, #tpu.memory_space<hbm>>) target_semaphore(%run_scoped3A : memref<!tpu.dma_semaphore, #tpu.memory_space<semaphore_mem>>)
      %dma_wait3A_48 = arith.constant 0 : i32
      %dma_wait3A_49 = tpu.memref_slice %arg4[%add3A, %dma_wait3A_48] : memref<32x64xf32, #tpu.memory_space<hbm>> -> memref<1x64xf32, #tpu.memory_space<hbm>>
      %dma_wait3A_50 = tpu.memref_squeeze %dma_wait3A_49 : memref<1x64xf32, #tpu.memory_space<hbm>> -> memref<64xf32, #tpu.memory_space<hbm>>
      %dma_wait3A_51 = arith.constant 0 : i32
      %dma_wait3A_52 = tpu.memref_slice %arg4[%add3A, %dma_wait3A_51] : memref<32x64xf32, #tpu.memory_space<hbm>> -> memref<1x64xf32, #tpu.memory_space<hbm>>
      %dma_wait3A_53 = tpu.memref_squeeze %dma_wait3A_52 : memref<1x64xf32, #tpu.memory_space<hbm>> -> memref<64xf32, #tpu.memory_space<hbm>>
      tpu.wait_dma2 semaphore(%run_scoped3A : memref<!tpu.dma_semaphore, #tpu.memory_space<semaphore_mem>>) src(%arg8 : memref<64xf32, #tpu.memory_space<vmem>>) dst(%dma_wait3A_53 : memref<64xf32, #tpu.memory_space<hbm>>)
      tpu.yield
    }) : () -> ()
    return
  }
}

#map = affine_map<(d0, d1) -> (0, 0)>
#map1 = affine_map<(d0, d1) -> (0)>
module attributes {stable_mosaic.version = 14 : i64} {
  func.func @_sc_fetch_row_body(%arg0: i32, %arg1: i32, %arg2: memref<1048576x64xf32, #tpu.memory_space<hbm>>, %arg3: memref<16xi32, #tpu.memory_space<hbm>>, %arg4: memref<64xf32, #tpu.memory_space<hbm>>, %arg5: memref<16xi32, #tpu.memory_space<vmem>>, %arg6: memref<8x64xf32, #tpu.memory_space<vmem>>, %arg7: memref<64xf32, #tpu.memory_space<vmem>>, %arg8: memref<!tpu.dma_semaphore, #tpu.memory_space<semaphore_mem>>, %arg9: memref<!tpu.dma_semaphore, #tpu.memory_space<semaphore_mem>>) attributes {dimension_semantics = [#tpu.dimension_semantics<core_parallel>, #tpu.dimension_semantics<subcore_parallel>], iteration_bounds = array<i64: 2, 16>, scalar_prefetch = 0 : i64, scratch_operands = 5 : i64, tpu.core_type = #tpu.core_type<sc_vector_subcore>, window_params = [{transform_indices = #map}, {transform_indices = #map1}, {transform_indices = #map1}]} {
    %mul3A = arith.constant 2 : i32
    %mul3A_0 = arith.muli %arg1, %mul3A : i32
    %add3A = arith.addi %mul3A_0, %arg0 : i32
    %eq3A = arith.constant 0 : i32
    %eq3A_1 = arith.cmpi eq, %add3A, %eq3A : i32
    %convert_element_type3A = arith.extui %eq3A_1 : i1 to i32
    %cond3A = arith.constant 0 : i32
    %cond3A_2 = arith.cmpi ne, %convert_element_type3A, %cond3A : i32
    scf.if %cond3A_2 {
      tpu.enqueue_dma source(%arg3 : memref<16xi32, #tpu.memory_space<hbm>>) target(%arg5 : memref<16xi32, #tpu.memory_space<vmem>>) target_semaphore(%arg8 : memref<!tpu.dma_semaphore, #tpu.memory_space<semaphore_mem>>)
      tpu.wait_dma2 semaphore(%arg8 : memref<!tpu.dma_semaphore, #tpu.memory_space<semaphore_mem>>) src(%arg3 : memref<16xi32, #tpu.memory_space<hbm>>) dst(%arg5 : memref<16xi32, #tpu.memory_space<vmem>>)
      %get3A = arith.constant 0 : index
      %get3A_3 = tpu.vector_load %arg5[%get3A] {strides = array<i32>} : memref<16xi32, #tpu.memory_space<vmem>>, vector<16xi32>,
      %get3A_4 = vector.shape_cast %get3A_3 : vector<16xi32> to vector<16xi32>
      %slice3A = vector.extract_strided_slice %get3A_4 {offsets = [0], sizes = [1], strides = [1]} : vector<16xi32> to vector<1xi32>
      %squeeze3A = vector.extract %slice3A[0] : i32 from vector<1xi32>
      %jit3A = arith.constant 8 : i32
      %div3A = arith.divsi %squeeze3A, %jit3A : i32
      %sign3A = arith.constant 0 : i32
      %sign3A_5 = arith.cmpi sgt, %squeeze3A, %sign3A : i32
      %sign3A_6 = arith.extui %sign3A_5 : i1 to i32
      %sign3A_7 = arith.constant 0 : i32
      %sign3A_8 = arith.cmpi slt, %squeeze3A, %sign3A_7 : i32
      %sign3A_9 = arith.extui %sign3A_8 : i1 to i32
      %sign3A_10 = arith.subi %sign3A_6, %sign3A_9 : i32
      %sign3A_11 = arith.constant 0 : i32
      %sign3A_12 = arith.cmpi sgt, %jit3A, %sign3A_11 : i32
      %sign3A_13 = arith.extui %sign3A_12 : i1 to i32
      %sign3A_14 = arith.constant 0 : i32
      %sign3A_15 = arith.cmpi slt, %jit3A, %sign3A_14 : i32
      %sign3A_16 = arith.extui %sign3A_15 : i1 to i32
      %sign3A_17 = arith.subi %sign3A_13, %sign3A_16 : i32
      %ne3A = arith.cmpi ne, %sign3A_10, %sign3A_17 : i32
      %rem3A = arith.remsi %squeeze3A, %jit3A : i32
      %ne3A_18 = arith.constant 0 : i32
      %ne3A_19 = arith.cmpi ne, %rem3A, %ne3A_18 : i32
      %and3A = arith.andi %ne3A, %ne3A_19 : i1
      %sub3A = arith.constant 1 : i32
      %sub3A_20 = arith.subi %div3A, %sub3A : i32
      %select_n3A = arith.select %and3A, %sub3A_20, %div3A : i32
      %mul3A_21 = arith.constant 8 : i32
      %mul3A_22 = arith.muli %select_n3A, %mul3A_21 : i32
      %dma_start3A = arith.constant 0 : i32
      %dma_start3A_23 = tpu.memref_slice %arg2[%mul3A_22, %dma_start3A] : memref<1048576x64xf32, #tpu.memory_space<hbm>> -> memref<8x64xf32, #tpu.memory_space<hbm>>
      %dma_start3A_24 = arith.constant 0 : i32
      %dma_start3A_25 = tpu.memref_slice %arg2[%mul3A_22, %dma_start3A_24] : memref<1048576x64xf32, #tpu.memory_space<hbm>> -> memref<8x64xf32, #tpu.memory_space<hbm>>
      tpu.enqueue_dma source(%dma_start3A_25 : memref<8x64xf32, #tpu.memory_space<hbm>>) target(%arg6 : memref<8x64xf32, #tpu.memory_space<vmem>>) target_semaphore(%arg9 : memref<!tpu.dma_semaphore, #tpu.memory_space<semaphore_mem>>)
      %dma_wait3A = arith.constant 0 : i32
      %dma_wait3A_26 = tpu.memref_slice %arg2[%mul3A_22, %dma_wait3A] : memref<1048576x64xf32, #tpu.memory_space<hbm>> -> memref<8x64xf32, #tpu.memory_space<hbm>>
      %dma_wait3A_27 = arith.constant 0 : i32
      %dma_wait3A_28 = tpu.memref_slice %arg2[%mul3A_22, %dma_wait3A_27] : memref<1048576x64xf32, #tpu.memory_space<hbm>> -> memref<8x64xf32, #tpu.memory_space<hbm>>
      tpu.wait_dma2 semaphore(%arg9 : memref<!tpu.dma_semaphore, #tpu.memory_space<semaphore_mem>>) src(%dma_wait3A_28 : memref<8x64xf32, #tpu.memory_space<hbm>>) dst(%arg6 : memref<8x64xf32, #tpu.memory_space<vmem>>)
      %sub3A_29 = arith.subi %squeeze3A, %mul3A_22 : i32
      %get3A_30 = arith.index_cast %sub3A_29 : i32 to index
      %get3A_31 = arith.constant 0 : index
      %get3A_32 = tpu.vector_load %arg6[%get3A_30, %get3A_31] {strides = array<i32>} : memref<8x64xf32, #tpu.memory_space<vmem>>, vector<1x16xf32>,
      %get3A_33 = vector.shape_cast %get3A_32 : vector<1x16xf32> to vector<16xf32>
      %swap3A = arith.constant 0 : index
      %swap3A_34 = tpu.vector_load %arg7[%swap3A] {strides = array<i32>} : memref<64xf32, #tpu.memory_space<vmem>>, vector<16xf32>,
      %swap3A_35 = vector.shape_cast %swap3A_34 : vector<16xf32> to vector<16xf32>
      %swap3A_36 = vector.shape_cast %get3A_33 : vector<16xf32> to vector<16xf32>
      tpu.vector_store %arg7[%swap3A], %swap3A_36 {strides = array<i32>} : memref<64xf32, #tpu.memory_space<vmem>>, vector<16xf32>,
      %get3A_37 = arith.index_cast %sub3A_29 : i32 to index
      %get3A_38 = arith.constant 16 : index
      %get3A_39 = tpu.vector_load %arg6[%get3A_37, %get3A_38] {strides = array<i32>} : memref<8x64xf32, #tpu.memory_space<vmem>>, vector<1x16xf32>,
      %get3A_40 = vector.shape_cast %get3A_39 : vector<1x16xf32> to vector<16xf32>
      %swap3A_41 = arith.constant 16 : index
      %swap3A_42 = tpu.vector_load %arg7[%swap3A_41] {strides = array<i32>} : memref<64xf32, #tpu.memory_space<vmem>>, vector<16xf32>,
      %swap3A_43 = vector.shape_cast %swap3A_42 : vector<16xf32> to vector<16xf32>
      %swap3A_44 = vector.shape_cast %get3A_40 : vector<16xf32> to vector<16xf32>
      tpu.vector_store %arg7[%swap3A_41], %swap3A_44 {strides = array<i32>} : memref<64xf32, #tpu.memory_space<vmem>>, vector<16xf32>,
      %get3A_45 = arith.index_cast %sub3A_29 : i32 to index
      %get3A_46 = arith.constant 32 : index
      %get3A_47 = tpu.vector_load %arg6[%get3A_45, %get3A_46] {strides = array<i32>} : memref<8x64xf32, #tpu.memory_space<vmem>>, vector<1x16xf32>,
      %get3A_48 = vector.shape_cast %get3A_47 : vector<1x16xf32> to vector<16xf32>
      %swap3A_49 = arith.constant 32 : index
      %swap3A_50 = tpu.vector_load %arg7[%swap3A_49] {strides = array<i32>} : memref<64xf32, #tpu.memory_space<vmem>>, vector<16xf32>,
      %swap3A_51 = vector.shape_cast %swap3A_50 : vector<16xf32> to vector<16xf32>
      %swap3A_52 = vector.shape_cast %get3A_48 : vector<16xf32> to vector<16xf32>
      tpu.vector_store %arg7[%swap3A_49], %swap3A_52 {strides = array<i32>} : memref<64xf32, #tpu.memory_space<vmem>>, vector<16xf32>,
      %get3A_53 = arith.index_cast %sub3A_29 : i32 to index
      %get3A_54 = arith.constant 48 : index
      %get3A_55 = tpu.vector_load %arg6[%get3A_53, %get3A_54] {strides = array<i32>} : memref<8x64xf32, #tpu.memory_space<vmem>>, vector<1x16xf32>,
      %get3A_56 = vector.shape_cast %get3A_55 : vector<1x16xf32> to vector<16xf32>
      %swap3A_57 = arith.constant 48 : index
      %swap3A_58 = tpu.vector_load %arg7[%swap3A_57] {strides = array<i32>} : memref<64xf32, #tpu.memory_space<vmem>>, vector<16xf32>,
      %swap3A_59 = vector.shape_cast %swap3A_58 : vector<16xf32> to vector<16xf32>
      %swap3A_60 = vector.shape_cast %get3A_56 : vector<16xf32> to vector<16xf32>
      tpu.vector_store %arg7[%swap3A_57], %swap3A_60 {strides = array<i32>} : memref<64xf32, #tpu.memory_space<vmem>>, vector<16xf32>,
      "tpu.region"() ({
        %run_scoped3A = tpu.sem_alloc : memref<!tpu.dma_semaphore, #tpu.memory_space<semaphore_mem>>
        tpu.enqueue_dma source(%arg7 : memref<64xf32, #tpu.memory_space<vmem>>) target(%arg4 : memref<64xf32, #tpu.memory_space<hbm>>) target_semaphore(%run_scoped3A : memref<!tpu.dma_semaphore, #tpu.memory_space<semaphore_mem>>)
        tpu.wait_dma2 semaphore(%run_scoped3A : memref<!tpu.dma_semaphore, #tpu.memory_space<semaphore_mem>>) src(%arg7 : memref<64xf32, #tpu.memory_space<vmem>>) dst(%arg4 : memref<64xf32, #tpu.memory_space<hbm>>)
        tpu.yield
      }) : () -> ()
    } else {
    }
    return
  }
}

module attributes {stable_mosaic.version = 14 : i64} {
  func.func @_argmin_kernel(%arg0: memref<8192x128xf32, #tpu.memory_space<vmem>>, %arg1: memref<1xf32, #tpu.memory_space<smem>>, %arg2: memref<16xi32, #tpu.memory_space<smem>>) attributes {dimension_semantics = [], scalar_prefetch = 0 : i64, scratch_operands = 0 : i64, tpu.core_type = #tpu.core_type<tc>} {
    %get3A = arith.constant 0 : index
    %get3A_0 = arith.constant 0 : index
    %get3A_1 = vector.load %arg0[%get3A, %get3A_0] : memref<8192x128xf32, #tpu.memory_space<vmem>>, vector<8192x128xf32>
    %reduce_min3A = vector.shape_cast %get3A_1 : vector<8192x128xf32> to vector<1x8192x128xf32>
    %reduce_min3A_2 = arith.constant dense<0x7F800000> : vector<1xf32>
    %reduce_min3A_3 = vector.multi_reduction <minimumf>, %reduce_min3A, %reduce_min3A_2 [1, 2] : vector<1x8192x128xf32> to vector<1xf32>
    %reduce_min3A_4 = vector.shape_cast %reduce_min3A_3 : vector<1xf32> to vector<1x1x1xf32>
    %reduce_min3A_5 = vector.extract %reduce_min3A_4[0, 0, 0] : f32 from vector<1x1x1xf32>
    %iota3A = tpu.iota {dimensions = array<i32: 0>} : vector<8192x128xi32>
    %mul3A = arith.constant 128 : i32
    %mul3A_6 = vector.broadcast %mul3A : i32 to vector<8192x128xi32>
    %mul3A_7 = arith.muli %iota3A, %mul3A_6 : vector<8192x128xi32>
    %iota3A_8 = tpu.iota {dimensions = array<i32: 1>} : vector<8192x128xi32>
    %add3A = arith.addi %mul3A_7, %iota3A_8 : vector<8192x128xi32>
    %eq3A = vector.broadcast %reduce_min3A_5 : f32 to vector<8192x128xf32>
    %eq3A_9 = arith.cmpf oeq, %get3A_1, %eq3A : vector<8192x128xf32>
    %jit3A = arith.constant 2147483647 : i32
    %broadcast_in_dim3A = vector.broadcast %jit3A : i32 to vector<8192x128xi32>
    %select_n3A = arith.select %eq3A_9, %add3A, %broadcast_in_dim3A : vector<8192x128xi1>, vector<8192x128xi32>
    %reduce_min3A_10 = vector.shape_cast %select_n3A : vector<8192x128xi32> to vector<1x8192x128xi32>
    %reduce_min3A_11 = arith.constant dense<2147483647> : vector<1xi32>
    %reduce_min3A_12 = vector.multi_reduction <minsi>, %reduce_min3A_10, %reduce_min3A_11 [1, 2] : vector<1x8192x128xi32> to vector<1xi32>
    %reduce_min3A_13 = vector.shape_cast %reduce_min3A_12 : vector<1xi32> to vector<1x1x1xi32>
    %reduce_min3A_14 = vector.extract %reduce_min3A_13[0, 0, 0] : i32 from vector<1x1x1xi32>
    %swap3A = arith.constant 0 : index
    %swap3A_15 = memref.load %arg1[%swap3A] : memref<1xf32, #tpu.memory_space<smem>>
    memref.store %reduce_min3A_5, %arg1[%swap3A] : memref<1xf32, #tpu.memory_space<smem>>
    %swap3A_16 = arith.constant 0 : index
    %swap3A_17 = memref.load %arg2[%swap3A_16] : memref<16xi32, #tpu.memory_space<smem>>
    memref.store %reduce_min3A_14, %arg2[%swap3A_16] : memref<16xi32, #tpu.memory_space<smem>>
    %swap3A_18 = arith.constant 1 : index
    %swap3A_19 = memref.load %arg2[%swap3A_18] : memref<16xi32, #tpu.memory_space<smem>>
    memref.store %reduce_min3A_14, %arg2[%swap3A_18] : memref<16xi32, #tpu.memory_space<smem>>
    %swap3A_20 = arith.constant 2 : index
    %swap3A_21 = memref.load %arg2[%swap3A_20] : memref<16xi32, #tpu.memory_space<smem>>
    memref.store %reduce_min3A_14, %arg2[%swap3A_20] : memref<16xi32, #tpu.memory_space<smem>>
    %swap3A_22 = arith.constant 3 : index
    %swap3A_23 = memref.load %arg2[%swap3A_22] : memref<16xi32, #tpu.memory_space<smem>>
    memref.store %reduce_min3A_14, %arg2[%swap3A_22] : memref<16xi32, #tpu.memory_space<smem>>
    %swap3A_24 = arith.constant 4 : index
    %swap3A_25 = memref.load %arg2[%swap3A_24] : memref<16xi32, #tpu.memory_space<smem>>
    memref.store %reduce_min3A_14, %arg2[%swap3A_24] : memref<16xi32, #tpu.memory_space<smem>>
    %swap3A_26 = arith.constant 5 : index
    %swap3A_27 = memref.load %arg2[%swap3A_26] : memref<16xi32, #tpu.memory_space<smem>>
    memref.store %reduce_min3A_14, %arg2[%swap3A_26] : memref<16xi32, #tpu.memory_space<smem>>
    %swap3A_28 = arith.constant 6 : index
    %swap3A_29 = memref.load %arg2[%swap3A_28] : memref<16xi32, #tpu.memory_space<smem>>
    memref.store %reduce_min3A_14, %arg2[%swap3A_28] : memref<16xi32, #tpu.memory_space<smem>>
    %swap3A_30 = arith.constant 7 : index
    %swap3A_31 = memref.load %arg2[%swap3A_30] : memref<16xi32, #tpu.memory_space<smem>>
    memref.store %reduce_min3A_14, %arg2[%swap3A_30] : memref<16xi32, #tpu.memory_space<smem>>
    %swap3A_32 = arith.constant 8 : index
    %swap3A_33 = memref.load %arg2[%swap3A_32] : memref<16xi32, #tpu.memory_space<smem>>
    memref.store %reduce_min3A_14, %arg2[%swap3A_32] : memref<16xi32, #tpu.memory_space<smem>>
    %swap3A_34 = arith.constant 9 : index
    %swap3A_35 = memref.load %arg2[%swap3A_34] : memref<16xi32, #tpu.memory_space<smem>>
    memref.store %reduce_min3A_14, %arg2[%swap3A_34] : memref<16xi32, #tpu.memory_space<smem>>
    %swap3A_36 = arith.constant 10 : index
    %swap3A_37 = memref.load %arg2[%swap3A_36] : memref<16xi32, #tpu.memory_space<smem>>
    memref.store %reduce_min3A_14, %arg2[%swap3A_36] : memref<16xi32, #tpu.memory_space<smem>>
    %swap3A_38 = arith.constant 11 : index
    %swap3A_39 = memref.load %arg2[%swap3A_38] : memref<16xi32, #tpu.memory_space<smem>>
    memref.store %reduce_min3A_14, %arg2[%swap3A_38] : memref<16xi32, #tpu.memory_space<smem>>
    %swap3A_40 = arith.constant 12 : index
    %swap3A_41 = memref.load %arg2[%swap3A_40] : memref<16xi32, #tpu.memory_space<smem>>
    memref.store %reduce_min3A_14, %arg2[%swap3A_40] : memref<16xi32, #tpu.memory_space<smem>>
    %swap3A_42 = arith.constant 13 : index
    %swap3A_43 = memref.load %arg2[%swap3A_42] : memref<16xi32, #tpu.memory_space<smem>>
    memref.store %reduce_min3A_14, %arg2[%swap3A_42] : memref<16xi32, #tpu.memory_space<smem>>
    %swap3A_44 = arith.constant 14 : index
    %swap3A_45 = memref.load %arg2[%swap3A_44] : memref<16xi32, #tpu.memory_space<smem>>
    memref.store %reduce_min3A_14, %arg2[%swap3A_44] : memref<16xi32, #tpu.memory_space<smem>>
    %swap3A_46 = arith.constant 15 : index
    %swap3A_47 = memref.load %arg2[%swap3A_46] : memref<16xi32, #tpu.memory_space<smem>>
    memref.store %reduce_min3A_14, %arg2[%swap3A_46] : memref<16xi32, #tpu.memory_space<smem>>
    return
  }
}

</mosaic_0001>

<sc_bundles>
// kernel: kernel.5.cloned.1.call-start
scs
__scs_entry_jumppad:
0x0: {  	(pc) =	sbr.rel $0x88, $3  }
0x1: {  	(tag) =	ssettag $0x0;
	lr =	simm.s32 $0x1  }
0x2: {  	[smem:$0x3F9C] =	sst lr;
	_ =	strace $0xD0000000  }
0x3: {  	_ = 	snop  }
0x4: {  	_ = 	snop  }
0x5: {  	_ = 	snop  }
0x6: {  	_ = 	snop  }
0x7: {  	_ = 	snop  }
__scs_overlays_trampoline_lowered:
0x8: {  	[smem:$0x3FAB] =	sst s0  }
0x9: {  	[smem:$0x3FAC] =	sst s1  }
0xa: {  	[smem:$0x3FAD] =	sst s2  }
0xb: {  	[smem:$0x3FAE] =	sst s3  }
0xc: {  	[smem:$0x3FAF] =	sst s4  }
0xd: {  	[smem:$0x3FB0] =	sst s5  }
0xe: {  	[smem:$0x3FB1] =	sst s6  }
0xf: {  	[smem:$0x3FB2] =	sst s7  }
0x10: {  	[smem:$0x3FB3] =	sst s8  }
0x11: {  	[smem:$0x3FB4] =	sst s9;
	s0 =	simm.s32 @!p0 $0x0  }
0x12: {  	s1 =	sld [smem:$0x3F9A];
	s0 =	simm.s32 @p0 $0x1  }
0x13: {  	[smem:$0x3FB5] =	sst s0;
	s0 =	simm.s32 @!p1 $0x0  }
0x14: {  	s2 =	sld [smem:$0x3F99];
	s0 =	simm.s32 @p1 $0x1  }
0x15: {  	[smem:$0x3FB6] =	sst s0;
	s0 =	simm.s32 @!p2 $0x0  }
0x16: {  	s3 =	sld [smem:$0x3FDB];
	s0 =	simm.s32 @p2 $0x1  }
0x17: {  	s4 =	simm.s32 $0x1BF5;
	[smem:$0x3FB8] =	sst s0  }
0x18: {  	s0 =	sld [smem:$0x3F9B];
	_ =	swait.ge [sflag:s4], $0x0  }
0x19: {  	s7 =	sld [smem:$0x3F9C]  }
0x1a: {  	s8 =	sadd.s32 $0xFFFFE003, lr  }
0x1b: {  	s9 =	sadd.s32 $0xFFFFFEF7, lr;
	s5 =	simm.s32 $0xFFFFFFFF;
	p2 =	slt.u32 s8, $0xFFFFF086  }
0x1c: {  	p1 =	slt.u32 s9, $0xF7A;
	s5 =	simm.s32 @!p2 $0x0  }
0x1d: {  	s5 =	simm.s32 @p1 $0x1;
	p0 =	seq.s32 s7, s2  }
0x1e: {  	s7 =	smul.u32 @!p0 $0xF7A, s2;
	p2 =	seq.s32 @!p0 s5, $0x0  }
0x1f: {  	s9 =	smul.u32 $0xF7A, s1;
	s8 =	simm.s32 @!p0 $0x1BF5;
	p2 =	por !p2, p0  }
0x20: {  	[sflag:s8] =	ssyncset.s32 @!p0 $0xFFFFF086;
	s6 =	sadd.s32 @!p0 s3, s7;
	s7 =	simm.s32 @!p0 $0x108  }
0x21: {  	s3 =	sadd.s32 s3, s9;
	s6 =	sadd.s32 @!p0 $0x88, s6;
	s7 =	simm.s32 @p2 $0x1082  }
0x22: {  	[simem:s7], [sflag:s8] =	dma.local @!p0 [hbm:s6], $0xF7A  }
0x23: {  	s9 =	sor.u32 $0xD0000000, s2;
	s6 =	simm.s32 $0x108;
	_ =	swait.ge @!p0 [sflag:s8], $0x0  }
0x24: {  	s3 =	sadd.s32 $0x88, s3;
	s6 =	simm.s32 @!p1 $0x1082;
	[sflag:s4] =	ssyncset.s32 $0xFFFFF086  }
0x25: {  	[simem:s6], [sflag:s4] =	dma.local [hbm:s3], $0xF7A  }
0x26: {  	[smem:$0x3F9C] =	sst s1;
	(tag) =	ssettag s2;
	_ =	strace s9  }
0x27: {  	s1 =	sld [smem:$0x3FAC]  }
0x28: {  	s2 =	sld [smem:$0x3FAD]  }
0x29: {  	s4 =	sld [smem:$0x3FAF]  }
0x2a: {  	p0 =	seq.s32 s5, $0x0;
	s5 =	sld [smem:$0x3FB0]  }
0x2b: {  	s6 =	sld [smem:$0x3FB1]  }
0x2c: {  	s7 =	sld [smem:$0x3FB2]  }
0x2d: {  	s3 =	simm.s32 $0x108;
	s8 =	sld [smem:$0x3FB3]  }
0x2e: {  	s3 =	simm.s32 @!p0 $0x1082;
	s9 =	sld [smem:$0x3FB4]  }
0x2f: {  	lr =	sadd.s32 s0, s3;
	s0 =	sld [smem:$0x3FAB]  }
0x30: {  	s3 =	sld [smem:$0x3FAE]  }
0x31: {  	[smem:$0x3FB7] =	sst s10  }
0x32: {  	s10 =	sld [smem:$0x3FB5];
	_ =	sdelay $0x3  }
0x33: {  	p0 =	seq.s32 s10, $0x1;
	s10 =	sld [smem:$0x3FB7];
	_ =	sdelay $0x3  }
0x34: {  	[smem:$0x3FB7] =	sst s10  }
0x35: {  	s10 =	sld [smem:$0x3FB6];
	_ =	sdelay $0x3  }
0x36: {  	p1 =	seq.s32 s10, $0x1;
	s10 =	sld [smem:$0x3FB7];
	_ =	sdelay $0x3  }
0x37: {  	[smem:$0x3FB7] =	sst s10  }
0x38: {  	s10 =	sld [smem:$0x3FB8]  }
0x39: {  	_ = 	snop;
	(pc) =	sbr.ind lr, $3  }
0x3a: {  	_ = 	snop  }
0x3b: {  	_ = 	snop  }
0x3c: {  	p2 =	seq.s32 s10, $0x1;
	s10 =	sld [smem:$0x3FB7]  }
0x3d: {  	_ =	shalt  }
0x3e: {  	_ =	shalt  }
0x3f: {  	_ =	shalt  }
0x40: {  	_ =	shalt  }
0x41: {  	_ =	shalt  }
0x42: {  	_ =	shalt  }
0x43: {  	_ =	shalt  }
0x44: {  	_ =	shalt  }
0x45: {  	_ =	shalt  }
0x46: {  	_ =	shalt  }
0x47: {  	_ =	shalt  }
0x48: {  	_ =	shalt  }
0x49: {  	_ =	shalt  }
0x4a: {  	_ =	shalt  }
0x4b: {  	_ =	shalt  }
0x4c: {  	_ =	shalt  }
0x4d: {  	_ =	shalt  }
0x4e: {  	_ =	shalt  }
0x4f: {  	_ =	shalt  }
0x50: {  	_ =	shalt  }
0x51: {  	_ =	shalt  }
0x52: {  	_ =	shalt  }
0x53: {  	_ =	shalt  }
0x54: {  	_ =	shalt  }
0x55: {  	_ =	shalt  }
0x56: {  	_ =	shalt  }
0x57: {  	_ =	shalt  }
0x58: {  	_ =	shalt  }
0x59: {  	_ =	shalt  }
0x5a: {  	_ =	shalt  }
0x5b: {  	_ =	shalt  }
0x5c: {  	_ =	shalt  }
0x5d: {  	_ =	shalt  }
0x5e: {  	_ =	shalt  }
0x5f: {  	_ =	shalt  }
0x60: {  	_ =	shalt  }
0x61: {  	_ =	shalt  }
0x62: {  	_ =	shalt  }
0x63: {  	_ =	shalt  }
0x64: {  	_ =	shalt  }
0x65: {  	_ =	shalt  }
0x66: {  	_ =	shalt  }
0x67: {  	_ =	shalt  }
0x68: {  	_ =	shalt  }
0x69: {  	_ =	shalt  }
0x6a: {  	_ =	shalt  }
0x6b: {  	_ =	shalt  }
0x6c: {  	_ =	shalt  }
0x6d: {  	_ =	shalt  }
0x6e: {  	_ =	shalt  }
0x6f: {  	_ =	shalt  }
0x70: {  	_ =	shalt  }
0x71: {  	_ =	shalt  }
0x72: {  	_ =	shalt  }
0x73: {  	_ =	shalt  }
0x74: {  	_ =	shalt  }
0x75: {  	_ =	shalt  }
0x76: {  	_ =	shalt  }
0x77: {  	_ =	shalt  }
0x78: {  	_ =	shalt  }
0x79: {  	_ =	shalt  }
0x7a: {  	_ =	shalt  }
0x7b: {  	_ =	shalt  }
0x7c: {  	_ =	shalt  }
0x7d: {  	_ =	shalt  }
0x7e: {  	_ =	shalt  }
0x7f: {  	_ =	shalt  }
0x80: {  	_ =	shalt  }
0x81: {  	_ =	shalt  }
0x82: {  	_ =	shalt  }
0x83: {  	_ =	shalt  }
0x84: {  	_ =	shalt  }
0x85: {  	_ =	shalt  }
0x86: {  	_ =	shalt  }
0x87: {  	_ =	shalt  }
.Lfunc_end0:
.L_simem_size_0:
called_computation_lowered:
.L_overlay_start_0:
0x88: {  	s2 =	sld [smem:$0x3FD9]  }
0x89: {  	s3 =	sld [smem:$0x3FFE];
	_ =	sdelay $0x1  }
0x8a: {  	s1 =	srdreg.scid  }
0x8b: {  	s0 =	sand.u32 $0x1, s1  }
0x8c: {  	s17 =	sshll.u32 s0, $0xA;
	s2 =	sadd.s32 s3, s2  }
0x8d: {  	s2 =	sadd.s32 s2, s17  }
0x8e: {  	[smem:$0x3FC3] =	sst s2  }
0x8f: {  	_ = 	snop  }
0x90: {  	s2 =	sld [smem:$0x3FC5];
	(tm) =	ssettm $0x1  }
0x91: {  	s18 =	sld [smem:$0x3FFB];
	_ =	sdelay $0x3  }
0x92: {  	_ =	strace s18  }
0x93: {  	s3 =	sld [smem:$0x3FFC];
	_ =	sdelay $0x3  }
0x94: {  	_ =	strace s3  }
0x95: {  	s3 =	sld [smem:$0x3FFD];
	_ =	sdelay $0x3  }
0x96: {  	_ =	strace s3  }
0x97: {  	_ =	strace $0x8FFFFFFF  }
0x98: {  	s19 =	sld [smem:$0x3FDB];
	_ =	sdelay $0x1  }
0x99: {  	s4 =	simm.s32 $_scs_section_size  }
0x9a: {  	s5 =	simm.s32 $_size__tile_overlayer_lowered;
	s6 =	simm.s32 $_tile_overlayer_lowered  }
0x9b: {  	s22 =	simm.s32 $0x1BFF;
	s21 =	sshll.u32 s6, $0x1;
	s3 =	sadd.s32 s4, s19  }
0x9c: {  	s7 =	simm.s32 $0x0;
	s20 =	sshll.u32 s5, $0x1;
	s5 =	sadd.s32 s21, s3  }
0x9d: {  	[timem:s7], [sflag:s22] =	dma.local [hbm:s5], s20  }
0x9e: {  	_ =	swait.ge [sflag:s22], s20  }
0x9f: {  	s4 =	ssub.s32 $0x0, s20;
	[sflag:s22] =	ssyncset.done $0x0  }
0xa0: {  	[sflag:s22] =	ssyncadd.s32 s4;
	_ =	sdelay $0x1  }
0xa1: {  	s23 =	simm.s32 $0x1B8B  }
0xa2: {  	_ =	swait.ge [sflag:s23], $0x1  }
0xa3: {  	[sflag:s23] =	ssyncset.done $0x0  }
0xa4: {  	s25 =	simm.s32 $0x1B8E;
	s24 =	sld [smem:$0x3FFE];
	[sflag:s23] =	ssyncadd.s32 $0xFFFFFFFF  }
0xa5: {  	s26 =	simm.s32 $execute0_lowered;
	[smem:$0x3FD2] =	sst s25  }
0xa6: {  	s5 =	sshll.u32 s26, $0x1;
	_ =	strace $0x80000046;
	[dreg:$0x1] =	wrdreg $0xFFFFFFFF  }
0xa7: {  	s28 =	simm.s32 $_size_execute0_lowered;
	s3 =	sadd.s32 s3, s5;
	[dreg:$0x0] =	wrdreg $0x0  }
0xa8: {  	s5 =	sshll.u32 s28, $0x1;
	[dreg:$0x2] =	wrdreg s3  }
0xa9: {  	[dreg:$0x3] =	wrdreg s5  }
0xaa: {  	[dreg:$0x4] =	wrdreg $0xC0  }
0xab: {  	_ =	task [dreg:s7], $0x5FFFF  }
0xac: {  	[dreg:$0x1] =	wrdreg $0xFFFFFFFF  }
0xad: {  	[dreg:$0x0] =	wrdreg $0x60  }
0xae: {  	[dreg:$0x2] =	wrdreg s24  }
0xaf: {  	[dreg:$0x3] =	wrdreg s2  }
0xb0: {  	[dreg:$0x4] =	wrdreg $0x9  }
0xb1: {  	_ =	task.clear_ibuf [dreg:s7], $0x5FFFF;
	_ =	strace $0x90000046  }
0xb2: {  	s29 =	simm.s32 $0x9;
	_ =	strace $0x80000048  }
0xb3: {  	_ =	swait.ge [sflag:s29], $0x1  }
0xb4: {  	[sflag:s29] =	ssyncadd.s32 $0xFFFFFFFF  }
0xb5: {  	_ =	strace $0x90000048  }
0xb6: {  	_ =	sfence  }
0xb7: {  	s30 =	sld [smem:$0x0];
	_ =	sdelay $0x2  }
0xb8: {  	s31 =	sshll.u32 s1, $0xD;
	s1 =	sshrl.u32 s1, $0x2  }
0xb9: {  	s3 =	sand.u32 $0x4000, s31;
	s1 =	sadd.s32 s1, s30  }
0xba: {  	s0 =	sor.u32 s3, s0;
	s1 =	sshll.u32 s1, $0x11  }
0xbb: {  	s0 =	sor.u32 s1, s0  }
0xbc: {  	s0 =	sadd.s32 $0x8F2B, s0  }
0xbd: {  	[sflag:s0] =	ssyncadd.remote.s32 $0x1  }
0xbe: {  	_ =	sfence.sel $0xFFFF  }
0xbf: {  	[dreg:$0x0] =	wrdreg $0xFFFFFFFF;
	(pc) =	sbr.abs _section_cstart, $3  }
0xc0: {  	[dreg:$0x1] =	wrdreg $0xFFFFFFFF  }
0xc1: {  	_ =	task.clear_ibuf [dreg:s7], $0x2FFFF;
	_ =	strace $0x9FFFFFFF  }
0xc2: {  	(tm) =	ssettm $0x7FFFFFFF  }
0xc3: {  	_ =	shalt  }
tec
execute0_lowered:
.L_overlay_start_1:
0x0: {  	(tag) =	ssettag $0x1  }
0x1: {  	s3 =	rddreg [dreg:$0x0]  }
0x2: {  	s4 =	rddreg [dreg:$0x1]  }
0x3: {  	s0 =	rddreg [dreg:$0x2];
	s5 =	srdreg.scid  }
0x4: {  	s1 =	stileid.u32;
	s2 =	simm.s32 $0x0;
	s10 =	simm.s32 $0x10000  }
0x5: {  	s11 =	simm.s32 $0x8000;
	s12 =	simm.s32 $0x3;
	s13 =	simm.s32 $0x1  }
0x6: {  	s14 =	simm.s32 $0x2;
	s15 =	simm.s32 $0x18000;
	s16 =	simm.s32 $0x4  }
0x7: {  	s5 =	sand.u32 $0x1, s5;
	s6 =	sshll.u32 s1, $0x1;
	[smem:$0x7FF] =	sst s2  }
0x8: {  	s17 =	simm.s32 $0x0;
	s6 =	sor.u32 s5, s6;
	_ =	strace $0x80000047  }
0x9: {  	s5 =	ssub.s32 $0x2, s5;
	s7 =	sshll.u32 s6, $0x13;
	s8 =	sshll.u32 s6, $0x4  }
0xa: {  	s9 =	sshrl.u32 s5, $0x1;
	s31 =	sshll.u32 s6, $0xC;
	s7 =	sadd.s32 s7, s3  }
0xb: {  	s8 =	sadd.s32 s8, s3;
	s9 =	ssub.s32 s5, s9;
	s3 =	sadd.s32 s4, s31  }
0xc: {  	s4 =	sadd.s32 $0xC00, s7;
	s5 =	sadd.s32 $0x1C00, s7;
	s6 =	sadd.s32 $0x2C00, s7  }
0xd: {  	s7 =	sadd.s32 $0x3C00, s7;
	s8 =	sadd.s32 $0x1000C00, s8;
	s9 =	smax.u32 s9, $0x1  }
.LBB2_1:
0xe: {  	[tilespmem:s10], [sflag:$0x3] =	stream.linear.gather [hbm4b:s3+s2], $0x8000, $0x38;
	[tilespmem:$0x18080] =	vst v63  }
0xf: {  	_ = 	snop  }
0x10: {  	[tilespmem:s2], [sflag:$0x1] =	stream.linear.gather [hbm4b:s4+s2], $0x8000, $0x38;
	[tilespmem:$0x18080] =	vst v63  }
0x11: {  	_ = 	snop  }
0x12: {  	[tilespmem:s11], [sflag:$0x2] =	stream.linear.gather [hbm4b:s5+s2], $0x8000, $0x38;
	[tilespmem:$0x18080] =	vst v63  }
0x13: {  	v27 =	vimm.f32 $0.0e+00;
	v30 =	vimm.f32 $0.0e+00;
	_ =	swait.ge [sflag:s12], $0x8000  }
0x14: {  	v24 =	vimm.f32 $0.0e+00;
	v26 =	vimm.f32 $0.0e+00;
	v22 =	vimm.f32 $0.0e+00;
	[sflag:s12] =	ssyncset.done $0x0  }
0x15: {  	v23 =	vimm.f32 $0.0e+00;
	v1 =	vimm.f32 $0.0e+00;
	v0 =	vimm.f32 $0.0e+00;
	s18 =	simm.s32 $0x0;
	[sflag:s12] =	ssyncadd.s32 $0xFFFF8000  }
.LBB2_2:
0x16: {  	s19 =	sshll.u32 s18, $0x9  }
0x17: {  	s20 =	simm.s32 $0x0;
	s19 =	sand.u32 $0x3FFFFE00, s19  }
0x18: {  	_ =	swait.ge [sflag:s13], $0x8000;
	s21 =	sand.u32 $0x80, s20;
	s19 =	sadd.s32 $0x10000, s19  }
0x19: {  	[sflag:s13] =	ssyncset.done $0x0;
	s20 =	sand.u32 $0x70, s20;
	s21 =	sadd.s32 s21, s19  }
0x1a: {  	[sflag:s13] =	ssyncadd.s32 $0xFFFF8000;
	s20 =	sadd.s32 s20, s21  }
0x1b: {  	s21 =	simm.s32 $0x400;
	v4 =	vld [tilespmem:s20+$0x0]  }
0x1c: {  	v2 =	vld [tilespmem:s21+$0x320]  }
0x1d: {  	v28 =	vld [tilespmem:s21+$0x310]  }
0x1e: {  	v3 =	vld [tilespmem:s21+$0x3B0]  }
0x1f: {  	v6 =	vld [tilespmem:s21+$0x220]  }
0x20: {  	v5 =	vld [tilespmem:s21+$0x210]  }
0x21: {  	v9 =	vld [tilespmem:s21+$0x380]  }
0x22: {  	v10 =	vld [tilespmem:s21+$0x3A0];
	v4 =	vmul.f32 $1.000000050e-03, v4  }
0x23: {  	v16 =	vld [tilespmem:s21+$0x280]  }
0x24: {  	v31 =	vld [tilespmem:s21+$0x110];
	v4 =	vmul.f32 $1.442695020e+00, v4  }
0x25: {  	v17 =	vld [tilespmem:s21+$0x2A0]  }
0x26: {  	v19 =	vld [tilespmem:s21+$0x180];
	(erf) = vpow2.f32 v4  }
0x27: {  	v20 =	vld [tilespmem:s21+$0x1B0]  }
0x28: {  	v21 =	vld [tilespmem:s21+$0x10]  }
0x29: {  	v33 =	vld [tilespmem:s21+$0x330]  }
0x2a: {  	v25 =	vld [tilespmem:s21+$0x290]  }
0x2b: {  	v32 =	vld [tilespmem:s21+$0xFFFFFF80]  }
0x2c: {  	v34 =	vld [tilespmem:s21+$0xB0]  }
0x2d: {  	v35 =	vld [tilespmem:s21+$0x90]  }
0x2e: {  	v36 =	vld [tilespmem:s21+$0xA0]  }
0x2f: {  	v38 =	vld [tilespmem:s21+$0xFFFFFE80];
	v37 =	vpop (erf)  }
0x30: {  	v40 =	vld [tilespmem:s21+$0xFFFFFEB0];
	v39 =	vbroadcast v37, $0x5;
	v11 =	vbroadcast v37, $0xD  }
0x31: {  	v41 =	vld [tilespmem:s21+$0xFFFFFE90];
	v29 =	vbroadcast v37, $0xB;
	v8 =	vbroadcast v37, $0xE  }
0x32: {  	v42 =	vld [tilespmem:s21+$0xFFFFFEA0];
	v13 =	vbroadcast v37, $0xA;
	v12 =	vbroadcast v37, $0xC  }
0x33: {  	v43 =	vld [tilespmem:s21+$0xFFFFFFB0];
	v15 =	vbroadcast v37, $0x8;
	v14 =	vbroadcast v37, $0xF  }
0x34: {  	v45 =	vld [tilespmem:s21+$0xFFFFFFA0];
	v44 =	vbroadcast v37, $0x7;
	v46 =	vbroadcast v37, $0x1  }
0x35: {  	v47 =	vld [tilespmem:s21+$0xFFFFFDB0];
	v18 =	vbroadcast v37, $0x6;
	v50 =	vbroadcast v37, $0x4  }
0x36: {  	v48 =	vld [tilespmem:s21+$0xFFFFFF90];
	v51 =	vbroadcast v37, $0x3;
	v54 =	vbroadcast v37, $0x9  }
0x37: {  	v49 =	vld [tilespmem:s21+$0xFFFFFDA0];
	v57 =	vbroadcast v37, $0x0;
	v37 =	vbroadcast v37, $0x2  }
0x38: {  	v52 =	vld [tilespmem:s21+$0xFFFFFD90];
	v5 =	vmul.f32 v5, v12;
	v7 =	vmul.f32 v6, v12  }
0x39: {  	v53 =	vld [tilespmem:s21+$0xFFFFFD80];
	v6 =	vmul.f32 v9, v14;
	v4 =	vmul.f32 v10, v14  }
0x3a: {  	v55 =	vld [tilespmem:s21+$0xFFFFFD30];
	v10 =	vmul.f32 v16, v11;
	v9 =	vmul.f32 v17, v11  }
0x3b: {  	v59 =	vld [tilespmem:s21+$0xFFFFFCA0];
	v47 =	vmul.f32 v47, v51;
	v56 =	vmul.f32 v25, v11  }
0x3c: {  	v60 =	vld [tilespmem:s21+$0xFFFFFC90];
	v17 =	vmul.f32 v21, v15;
	v48 =	vmul.f32 v48, v44  }
0x3d: {  	v58 =	vld [tilespmem:s21+$0xFFFFFD20];
	v16 =	vmul.f32 v19, v29;
	v19 =	vmul.f32 v20, v29  }
0x3e: {  	v61 =	vld [tilespmem:s21+$0xFFFFFC30];
	v53 =	vmul.f32 v53, v51;
	v20 =	vmul.f32 v34, v54  }
0x3f: {  	v63 =	vld [tilespmem:s21+$0xFFFFFE30];
	v55 =	vmul.f32 v55, v37;
	v49 =	vmul.f32 v49, v51  }
0x40: {  	v25 =	vld [tilespmem:s21+$0xFFFFFCB0];
	v21 =	vmul.f32 v32, v44;
	v32 =	vmul.f32 v45, v44  }
0x41: {  	v34 =	vld [tilespmem:s21+$0xFFFFFC80];
	v59 =	vmul.f32 v59, v46;
	v60 =	vmul.f32 v60, v46  }
0x42: {  	v45 =	vld [tilespmem:s21+$0xFFFFFC20];
	v43 =	vmul.f32 v43, v44;
	v58 =	vmul.f32 v58, v37  }
0x43: {  	v44 =	vld [tilespmem:s21+$0xFFFFFC00];
	v35 =	vmul.f32 v35, v54;
	v51 =	vmul.f32 v52, v51;
	v24 =	vadd.f32 v60, v24  }
0x44: {  	v38 =	vmul.f32 v38, v39;
	v40 =	vmul.f32 v40, v39;
	v30 =	vadd.f32 v59, v30;
	v60 =	vld [tilespmem:s21+$0xFFFFFD00]  }
0x45: {  	v59 =	vmul.f32 v57, v61;
	v61 =	vld [tilespmem:s21+$0x30];
	v51 =	vadd.f32 v51, v24;
	v24 =	vmul.f32 v42, v39  }
0x46: {  	v30 =	vadd.f32 v49, v30;
	v62 =	vmul.f32 v25, v46;
	v25 =	vmul.f32 v36, v54;
	v36 =	vld [tilespmem:s21+$0xFFFFFC10]  }
0x47: {  	v22 =	vadd.f32 v59, v22;
	v59 =	vmul.f32 v41, v39;
	v34 =	vmul.f32 v34, v46;
	v46 =	vld [tilespmem:s21+$0xFFFFFD10]  }
0x48: {  	v45 =	vmul.f32 v57, v45;
	v42 =	vmul.f32 v57, v44;
	v27 =	vadd.f32 v62, v27;
	v62 =	vld [tilespmem:s21+$0xFFFFFE10]  }
0x49: {  	v44 =	vld [tilespmem:s21+$0x190];
	v30 =	vadd.f32 v24, v30;
	v22 =	vadd.f32 v55, v22;
	v24 =	vmul.f32 v31, v13  }
0x4a: {  	v31 =	vmul.f32 v63, v50;
	v26 =	vadd.f32 v34, v26;
	v34 =	vld [tilespmem:s21+$0xFFFFFF30];
	v45 =	vadd.f32 v45, v23  }
0x4b: {  	v63 =	vld [tilespmem:s21+$0x130];
	v23 =	vadd.f32 v59, v51;
	v59 =	vmul.f32 v61, v15;
	v0 =	vadd.f32 v42, v0  }
0x4c: {  	v32 =	vadd.f32 v32, v30;
	v36 =	vmul.f32 v57, v36;
	v57 =	vmul.f32 v60, v37;
	v60 =	vld [tilespmem:s21+$0x80]  }
0x4d: {  	v31 =	vadd.f32 v31, v22;
	v27 =	vadd.f32 v47, v27;
	v47 =	vmul.f32 v62, v50;
	v62 =	vld [tilespmem:s21+$0x390]  }
0x4e: {  	v52 =	vld [tilespmem:s21+$0x230];
	v22 =	vmul.f32 v28, v8;
	v23 =	vadd.f32 v48, v23;
	v26 =	vadd.f32 v53, v26  }
0x4f: {  	v55 =	vld [tilespmem:s21+$0xFFFFFE20];
	v42 =	vadd.f32 v58, v45;
	v27 =	vadd.f32 v40, v27;
	v34 =	vmul.f32 v34, v18  }
0x50: {  	v61 =	vld [tilespmem:s21+$0x1A0];
	v46 =	vmul.f32 v46, v37;
	v44 =	vmul.f32 v44, v29;
	v1 =	vadd.f32 v36, v1  }
0x51: {  	v28 =	vld [tilespmem:s21+$0xFFFFFF10];
	v37 =	vmul.f32 v63, v13;
	v30 =	vadd.f32 v43, v27;
	v31 =	vadd.f32 v34, v31  }
0x52: {  	v27 =	vmul.f32 v60, v54;
	v60 =	vadd.f32 v35, v23;
	v23 =	vmul.f32 v62, v14;
	v62 =	vld [tilespmem:s21+$0xFFFFFE00]  }
0x53: {  	v41 =	vld [tilespmem:s21+$0xFFFFFF20];
	v63 =	vmul.f32 v52, v12;
	v36 =	vadd.f32 v38, v26;
	v31 =	vadd.f32 v59, v31  }
0x54: {  	v39 =	vld [tilespmem:s21+$0xFFFFFF00];
	v38 =	vmul.f32 v55, v50;
	v45 =	vadd.f32 v57, v0;
	v1 =	vadd.f32 v46, v1  }
0x55: {  	v40 =	vld [tilespmem:s21+$0x20];
	v34 =	vmul.f32 v33, v8;
	v26 =	vadd.f32 v44, v60;
	v31 =	vadd.f32 v37, v31  }
0x56: {  	v35 =	vmul.f32 v61, v29;
	v47 =	vadd.f32 v47, v1;
	v44 =	vmul.f32 v28, v18;
	v37 =	vld [tilespmem:s21+$0x0]  }
0x57: {  	s23 =	simm.s32 $0x10;
	s20 =	simm.s32 $0x400;
	v26 =	vadd.f32 v56, v26;
	v43 =	vadd.f32 v63, v31;
	v31 =	vld [tilespmem:s21+$0x120];
	v46 =	vmul.f32 v62, v50  }
.LBB2_3:
0x58: {  	s24 =	sand.u32 $0x80, s23  }
0x59: {  	v28 =	vadd.f32 v44, v47;
	v0 =	vmul.f32 v41, v18;
	v25 =	vadd.f32 v25, v32;
	v29 =	vld [tilespmem:s21+$0x100];
	s20 =	sadd.s32 $0x800, s20;
	s25 =	smov.u32 s23;
	s22 =	sadd.s32 $0x10, s23  }
0x5a: {  	p0 =	sne.s32 s23, $0xF0;
	v33 =	vadd.f32 v38, v42;
	s25 =	sand.u32 $0x70, s25;
	s24 =	sadd.s32 s24, s19;
	v32 =	vadd.f32 v46, v45;
	v18 =	vmul.f32 v39, v18;
	v38 =	vld [tilespmem:s21+$0x2B0]  }
0x5b: {  	v20 =	vadd.f32 v20, v30;
	v1 =	vadd.f32 v34, v43;
	s23 =	sadd.s32 s25, s24;
	v39 =	vmul.f32 v40, v15;
	v30 =	vld [tilespmem:s21+$0x200]  }
0x5c: {  	v21 =	vadd.f32 v21, v36;
	v34 =	vld [tilespmem:s23+$0x0];
	v18 =	vadd.f32 v18, v32;
	v15 =	vmul.f32 v37, v15  }
0x5d: {  	v14 =	vmul.f32 v3, v14;
	v19 =	vadd.f32 v19, v20;
	v31 =	vmul.f32 v31, v13;
	v20 =	vld [tilespmem:s21+$0x300];
	s21 =	smov.u32 s20  }
0x5e: {  	v33 =	vadd.f32 v0, v33;
	v32 =	vld [tilespmem:s20+$0x320];
	v15 =	vadd.f32 v15, v18;
	v13 =	vmul.f32 v29, v13  }
0x5f: {  	v17 =	vadd.f32 v17, v28;
	v18 =	vadd.f32 v27, v21;
	v0 =	vld [tilespmem:s20+$0x310];
	v11 =	vmul.f32 v38, v11  }
0x60: {  	v25 =	vadd.f32 v35, v25;
	v21 =	vadd.f32 v39, v33;
	v3 =	vld [tilespmem:s20+$0x3B0];
	v12 =	vmul.f32 v30, v12  }
0x61: {  	v13 =	vadd.f32 v13, v15;
	v15 =	vadd.f32 v16, v18;
	v27 =	vmul.f32 $1.000000050e-03, v34;
	v30 =	vld [tilespmem:s20+$0x220]  }
0x62: {  	v18 =	vadd.f32 v31, v21;
	v11 =	vadd.f32 v11, v19;
	v16 =	vld [tilespmem:s20+$0x210];
	v19 =	vmul.f32 v20, v8  }
0x63: {  	v17 =	vadd.f32 v24, v17;
	v12 =	vadd.f32 v12, v13;
	v20 =	vmul.f32 $1.442695020e+00, v27;
	v21 =	vld [tilespmem:s20+$0x380]  }
0x64: {  	v7 =	vadd.f32 v7, v18;
	v10 =	vadd.f32 v10, v15;
	v8 =	vmul.f32 v2, v8;
	v2 =	vmovc v32;
	v33 =	vld [tilespmem:s20+$0x3A0]  }
0x65: {  	v9 =	vadd.f32 v9, v25;
	v5 =	vadd.f32 v5, v17;
	v32 =	vld [tilespmem:s20+$0x280];
	(erf) = vpow2.f32 v20  }
0x66: {  	v34 =	vadd.f32 v14, v11;
	v27 =	vadd.f32 v6, v10;
	v24 =	vld [tilespmem:s20+$0x110]  }
0x67: {  	v28 =	vadd.f32 v22, v5;
	v22 =	vadd.f32 v8, v7;
	v17 =	vld [tilespmem:s20+$0x2A0]  }
0x68: {  	v35 =	vadd.f32 v23, v26;
	v36 =	vadd.f32 v4, v9;
	v20 =	vld [tilespmem:s20+$0x180]  }
0x69: {  	v26 =	vadd.f32 v19, v12;
	v25 =	vld [tilespmem:s20+$0x1B0]  }
0x6a: {  	v19 =	vld [tilespmem:s20+$0x10]  }
0x6b: {  	v23 =	vld [tilespmem:s20+$0x330]  }
0x6c: {  	v37 =	vld [tilespmem:s20+$0x290]  }
0x6d: {  	v38 =	vld [tilespmem:s20+$0xFFFFFF80]  }
0x6e: {  	v39 =	vld [tilespmem:s20+$0xB0];
	v40 =	vpop (erf)  }
0x6f: {  	v41 =	vld [tilespmem:s20+$0x90]  }
0x70: {  	v42 =	vld [tilespmem:s20+$0xA0]  }
0x71: {  	v43 =	vld [tilespmem:s20+$0xFFFFFE80]  }
0x72: {  	v44 =	vbroadcast v40, $0x5;
	v11 =	vbroadcast v40, $0xD;
	v45 =	vld [tilespmem:s20+$0xFFFFFEB0]  }
0x73: {  	v29 =	vbroadcast v40, $0xB;
	v8 =	vbroadcast v40, $0xE;
	v46 =	vld [tilespmem:s20+$0xFFFFFE90]  }
0x74: {  	v13 =	vbroadcast v40, $0xA;
	v12 =	vbroadcast v40, $0xC;
	v47 =	vld [tilespmem:s20+$0xFFFFFEA0]  }
0x75: {  	v15 =	vbroadcast v40, $0x8;
	v14 =	vbroadcast v40, $0xF;
	v48 =	vld [tilespmem:s20+$0xFFFFFFB0]  }
0x76: {  	v49 =	vbroadcast v40, $0x7;
	v5 =	vmul.f32 v16, v12;
	v50 =	vld [tilespmem:s20+$0xFFFFFFA0]  }
0x77: {  	v51 =	vbroadcast v40, $0x1;
	v7 =	vmul.f32 v30, v12;
	v16 =	vld [tilespmem:s20+$0xFFFFFDB0]  }
0x78: {  	v18 =	vbroadcast v40, $0x6;
	v6 =	vmul.f32 v21, v14;
	v30 =	vld [tilespmem:s20+$0xFFFFFF90]  }
0x79: {  	v31 =	vbroadcast v40, $0x4;
	v4 =	vmul.f32 v33, v14;
	v21 =	vld [tilespmem:s20+$0xFFFFFDA0]  }
0x7a: {  	v52 =	vbroadcast v40, $0x3;
	v10 =	vmul.f32 v32, v11;
	v53 =	vld [tilespmem:s20+$0xFFFFFD90]  }
0x7b: {  	v54 =	vbroadcast v40, $0x9;
	v9 =	vmul.f32 v17, v11;
	v32 =	vld [tilespmem:s20+$0xFFFFFD80]  }
0x7c: {  	v33 =	vmul.f32 v37, v11;
	v55 =	vld [tilespmem:s20+$0xFFFFFD30];
	v56 =	vmul.f32 v16, v52  }
0x7d: {  	v37 =	vbroadcast v40, $0x0;
	v17 =	vmul.f32 v19, v15;
	v57 =	vld [tilespmem:s20+$0xFFFFFD20]  }
0x7e: {  	v16 =	vmul.f32 v20, v29;
	v59 =	vmul.f32 v30, v49;
	v58 =	vld [tilespmem:s20+$0xFFFFFCB0]  }
0x7f: {  	v40 =	vbroadcast v40, $0x2;
	v19 =	vmul.f32 v25, v29;
	v30 =	vld [tilespmem:s20+$0xFFFFFCA0]  }
0x80: {  	v20 =	vmul.f32 v39, v54;
	v60 =	vld [tilespmem:s20+$0xFFFFFC90];
	v61 =	vmul.f32 v32, v52  }
0x81: {  	v32 =	vld [tilespmem:s20+$0xFFFFFC80];
	v39 =	vmul.f32 v55, v40;
	v55 =	vmul.f32 v21, v52  }
0x82: {  	v21 =	vmul.f32 v38, v49;
	v38 =	vmul.f32 v50, v49;
	v62 =	vld [tilespmem:s20+$0xFFFFFC30]  }
0x83: {  	v25 =	vmul.f32 v42, v54;
	v50 =	vld [tilespmem:s20+$0xFFFFFC20];
	v58 =	vmul.f32 v58, v51  }
0x84: {  	v48 =	vmul.f32 v48, v49;
	v42 =	vld [tilespmem:s20+$0xFFFFFC10];
	v30 =	vmul.f32 v30, v51  }
0x85: {  	v57 =	vmul.f32 v57, v40;
	v49 =	vld [tilespmem:s20+$0xFFFFFC00];
	v60 =	vmul.f32 v60, v51;
	v34 =	vadd.f32 v58, v34  }
0x86: {  	v41 =	vmul.f32 v41, v54;
	v32 =	vmul.f32 v32, v51;
	v30 =	vadd.f32 v30, v36;
	v36 =	vld [tilespmem:s20+$0xFFFFFD10]  }
0x87: {  	v52 =	vmul.f32 v53, v52;
	v51 =	vmul.f32 v37, v62;
	v35 =	vadd.f32 v60, v35;
	v58 =	vld [tilespmem:s20+$0xFFFFFD00]  }
0x88: {  	v43 =	vmul.f32 v43, v44;
	v50 =	vmul.f32 v37, v50;
	v30 =	vadd.f32 v55, v30;
	v53 =	vld [tilespmem:s20+$0xFFFFFE10]  }
0x89: {  	v47 =	vmul.f32 v47, v44;
	v42 =	vmul.f32 v37, v42;
	v35 =	vadd.f32 v52, v35;
	v52 =	vld [tilespmem:s20+$0xFFFFFE30]  }
0x8a: {  	v45 =	vmul.f32 v45, v44;
	v34 =	vadd.f32 v56, v34;
	v37 =	vmul.f32 v37, v49;
	v49 =	vld [tilespmem:s20+$0x190]  }
0x8b: {  	v1 =	vadd.f32 v51, v1;
	v51 =	vadd.f32 v32, v27;
	v55 =	vmul.f32 v36, v40;
	v27 =	vld [tilespmem:s20+$0xFFFFFF30]  }
0x8c: {  	v30 =	vadd.f32 v47, v30;
	v36 =	vmul.f32 v46, v44;
	v56 =	vmul.f32 v58, v40;
	v40 =	vld [tilespmem:s20+$0x80]  }
0x8d: {  	v24 =	vmul.f32 v24, v13;
	v1 =	vadd.f32 v39, v1;
	v46 =	vmul.f32 v53, v31;
	v39 =	vld [tilespmem:s20+$0x30]  }
0x8e: {  	v34 =	vadd.f32 v45, v34;
	v32 =	vadd.f32 v38, v30;
	v44 =	vmul.f32 v52, v31;
	v38 =	vld [tilespmem:s20+$0x390]  }
0x8f: {  	v45 =	vadd.f32 v50, v22;
	v22 =	vadd.f32 v36, v35;
	v35 =	vld [tilespmem:s20+$0x130];
	v47 =	vmul.f32 v49, v29  }
0x90: {  	v30 =	vadd.f32 v48, v34;
	v1 =	vadd.f32 v44, v1;
	v36 =	vmul.f32 v27, v18;
	v44 =	vld [tilespmem:s20+$0x230]  }
0x91: {  	v49 =	vadd.f32 v59, v22;
	v22 =	vmul.f32 v0, v8;
	v48 =	vld [tilespmem:s20+$0xFFFFFE20];
	v27 =	vmul.f32 v40, v54  }
0x92: {  	v34 =	vmul.f32 v23, v8;
	v0 =	vld [tilespmem:s20+$0xFFFFFF10];
	v1 =	vadd.f32 v36, v1;
	v36 =	vmul.f32 v39, v15  }
0x93: {  	v40 =	vadd.f32 v41, v49;
	v39 =	vadd.f32 v61, v51;
	v49 =	vld [tilespmem:s20+$0x1A0];
	v23 =	vmul.f32 v38, v14  }
0x94: {  	v28 =	vadd.f32 v42, v28;
	v50 =	vld [tilespmem:s20+$0xFFFFFE00];
	v1 =	vadd.f32 v36, v1;
	v35 =	vmul.f32 v35, v13  }
.Ltmp0:
0x95: {  	v51 =	vadd.f32 v47, v40;
	v36 =	vadd.f32 v43, v39;
	v41 =	vld [tilespmem:s20+$0xFFFFFF20];
	v43 =	vmul.f32 v44, v12;
	(pc) =	sbr.rel @p0 .LBB2_3-.Ltmp0, $4  }
0x96: {  	v28 =	vadd.f32 v55, v28;
	v38 =	vmul.f32 v48, v31;
	v39 =	vld [tilespmem:s20+$0xFFFFFF00];
	v1 =	vadd.f32 v35, v1  }
0x97: {  	v26 =	vadd.f32 v37, v26;
	v42 =	vadd.f32 v57, v45;
	v44 =	vmul.f32 v0, v18;
	v40 =	vld [tilespmem:s20+$0x20]  }
0x98: {  	v47 =	vadd.f32 v46, v28;
	v37 =	vld [tilespmem:s20+$0x0];
	v35 =	vmul.f32 v49, v29;
	v43 =	vadd.f32 v43, v1  }
0x99: {  	s23 =	smov.u32 s22;
	v45 =	vadd.f32 v56, v26;
	v26 =	vadd.f32 v33, v51;
	v46 =	vmul.f32 v50, v31;
	v31 =	vld [tilespmem:s20+$0x120]  }
0x9a: {  	v33 =	vld [tilespmem:s21+$0x100]  }
0x9b: {  	v48 =	vld [tilespmem:s21+$0x2B0];
	s20 =	sshll.u32 s18, $0xD  }
0x9c: {  	v49 =	vld [tilespmem:s21+$0x200];
	s22 =	simm.s32 $0x0;
	s30 =	sadd.s32 s20, s6  }
0x9d: {  	v50 =	vld [tilespmem:s21+$0x300];
	[tilespmem:s22], [sflag:$0x1] =	stream.linear.gather [hbm4b:s30+s22], $0x8000, $0x38  }
0x9e: {  	s31 =	sand.u32 $0x80, s22;
	_ =	swait.ge [sflag:s14], $0x8000  }
0x9f: {  	s22 =	sand.u32 $0x70, s22;
	s21 =	sadd.s32 s31, s19;
	[sflag:s14] =	ssyncset.done $0x0  }
0xa0: {  	s22 =	sadd.s32 s22, s21;
	[sflag:s14] =	ssyncadd.s32 $0xFFFF8000  }
0xa1: {  	s21 =	simm.s32 $0x8400;
	v29 =	vld [tilespmem:s22+$0x100]  }
0xa2: {  	v0 =	vld [tilespmem:s21+$0x320]  }
0xa3: {  	v1 =	vld [tilespmem:s21+$0x310]  }
0xa4: {  	v51 =	vld [tilespmem:s21+$0x220]  }
0xa5: {  	v52 =	vld [tilespmem:s21+$0x210]  }
0xa6: {  	v53 =	vld [tilespmem:s21+$0x380]  }
0xa7: {  	v54 =	vld [tilespmem:s21+$0x3A0]  }
0xa8: {  	v55 =	vld [tilespmem:s21+$0x280]  }
0xa9: {  	v57 =	vld [tilespmem:s21+$0x2A0];
	v29 =	vmul.f32 $1.000000050e-03, v29  }
0xaa: {  	v58 =	vld [tilespmem:s21+$0x1B0]  }
0xab: {  	v44 =	vadd.f32 v44, v47;
	v47 =	vld [tilespmem:s21+$0x10];
	v56 =	vmul.f32 $1.442695020e+00, v29  }
0xac: {  	v32 =	vadd.f32 v25, v32;
	v25 =	vld [tilespmem:s21+$0x330]  }
0xad: {  	v20 =	vadd.f32 v20, v30;
	v30 =	vadd.f32 v34, v43;
	v34 =	vld [tilespmem:s21+$0x290];
	(erf) = vpow2.f32 v56  }
0xae: {  	v21 =	vadd.f32 v21, v36;
	v36 =	vld [tilespmem:s21+$0xFFFFFF80]  }
0xaf: {  	v45 =	vadd.f32 v46, v45;
	v46 =	vmul.f32 v40, v15;
	v15 =	vmul.f32 v37, v15;
	v37 =	vld [tilespmem:s21+$0xB0]  }
0xb0: {  	v31 =	vmul.f32 v31, v13;
	v13 =	vmul.f32 v33, v13;
	v33 =	vld [tilespmem:s21+$0x90]  }
0xb1: {  	v41 =	vmul.f32 v41, v18;
	v38 =	vadd.f32 v38, v42;
	v40 =	vld [tilespmem:s21+$0xA0]  }
0xb2: {  	v18 =	vmul.f32 v39, v18;
	v19 =	vadd.f32 v19, v20;
	v43 =	vld [tilespmem:s21+$0xFFFFFE80]  }
0xb3: {  	v20 =	vmul.f32 v3, v14;
	v3 =	vadd.f32 v41, v38;
	v17 =	vadd.f32 v17, v44;
	v44 =	vld [tilespmem:s21+$0xFFFFFEB0]  }
0xb4: {  	v23 =	vadd.f32 v23, v26;
	v41 =	vmul.f32 v2, v8;
	v32 =	vadd.f32 v35, v32;
	v35 =	vld [tilespmem:s21+$0xFFFFFE90]  }
0xb5: {  	v18 =	vadd.f32 v18, v45;
	v3 =	vadd.f32 v46, v3;
	v11 =	vmul.f32 v48, v11;
	v46 =	vld [tilespmem:s21+$0xFFFFFEA0]  }
0xb6: {  	v24 =	vadd.f32 v24, v17;
	v38 =	vmul.f32 v49, v12;
	v28 =	vmul.f32 v50, v8;
	v49 =	vld [tilespmem:s21+$0xFFFFFFB0];
	v42 =	vpop (erf)  }
0xb7: {  	v14 =	vadd.f32 v15, v18;
	v59 =	vld [tilespmem:s21+$0xFFFFFFA0];
	v39 =	vbroadcast v42, $0x5;
	v12 =	vbroadcast v42, $0xD  }
0xb8: {  	v18 =	vadd.f32 v27, v21;
	v61 =	vld [tilespmem:s21+$0xFFFFFDB0];
	v27 =	vbroadcast v42, $0xB;
	v2 =	vbroadcast v42, $0xE  }
0xb9: {  	v62 =	vld [tilespmem:s21+$0xFFFFFD90];
	v45 =	vadd.f32 v13, v14;
	v15 =	vbroadcast v42, $0xA;
	v14 =	vbroadcast v42, $0xC  }
0xba: {  	v21 =	vld [tilespmem:s21+$0xFFFFFCB0];
	v48 =	vadd.f32 v16, v18;
	v18 =	vbroadcast v42, $0x8;
	v16 =	vbroadcast v42, $0xF  }
0xbb: {  	v31 =	vadd.f32 v31, v3;
	v26 =	vld [tilespmem:s21+$0xFFFFFC30];
	v50 =	vbroadcast v42, $0x7;
	v60 =	vbroadcast v42, $0x1  }
0xbc: {  	v38 =	vadd.f32 v38, v45;
	v45 =	vld [tilespmem:s21+$0xFFFFFDA0];
	v8 =	vmul.f32 v52, v14;
	v13 =	vmul.f32 v51, v14  }
0xbd: {  	v56 =	vld [tilespmem:s21+$0x180];
	v52 =	vadd.f32 v11, v19;
	v19 =	vbroadcast v42, $0x6;
	v11 =	vmul.f32 v53, v16  }
0xbe: {  	v10 =	vadd.f32 v10, v48;
	v48 =	vld [tilespmem:s21+$0xFFFFFD80];
	v53 =	vbroadcast v42, $0x4;
	v3 =	vmul.f32 v54, v16  }
0xbf: {  	v32 =	vadd.f32 v9, v32;
	[tilespmem:$0x1FFE0] =	vst v1;
	v1 =	vld [tilespmem:s21+$0x3B0];
	v54 =	vbroadcast v42, $0x3;
	v17 =	vmul.f32 v55, v12  }
0xc0: {  	v31 =	vadd.f32 v7, v31;
	[tilespmem:$0x1FFF0] =	vst v25;
	v25 =	vld [tilespmem:s21+$0xFFFFFD20];
	v55 =	vbroadcast v42, $0x9;
	v7 =	vmul.f32 v57, v12  }
0xc1: {  	v28 =	vadd.f32 v28, v38;
	v38 =	vld [tilespmem:s21+$0xFFFFFC10];
	v63 =	vmul.f32 v34, v12;
	v34 =	vbroadcast v42, $0x0  }
0xc2: {  	v24 =	vadd.f32 v5, v24;
	v29 =	vld [tilespmem:s21+$0x110];
	v9 =	vmul.f32 v47, v18;
	v5 =	vmul.f32 v56, v27  }
0xc3: {  	v51 =	vld [tilespmem:s21+$0xFFFFFF90];
	v47 =	vadd.f32 v6, v10;
	v42 =	vbroadcast v42, $0x2;
	v6 =	vmul.f32 v58, v27  }
0xc4: {  	v56 =	vld [tilespmem:s21+$0xFFFFFCA0];
	v21 =	vmul.f32 v21, v60;
	v49 =	vmul.f32 v49, v50  }
0xc5: {  	v58 =	vadd.f32 v22, v24;
	v22 =	vld [tilespmem:s21+$0xFFFFFC90];
	v43 =	vmul.f32 v43, v39;
	v46 =	vmul.f32 v46, v39  }
0xc6: {  	v57 =	vld [tilespmem:s21+$0xFFFFFD30];
	v44 =	vmul.f32 v44, v39;
	v61 =	vmul.f32 v61, v54  }
0xc7: {  	v24 =	vmul.f32 v48, v54;
	v10 =	vmul.f32 v37, v55;
	v37 =	vld [tilespmem:s21+$0xFFFFFC80]  }
0xc8: {  	v52 =	vadd.f32 v20, v52;
	v45 =	vmul.f32 v45, v54;
	v20 =	vmul.f32 v36, v50;
	v48 =	vld [tilespmem:s21+$0xFFFFFC20]  }
0xc9: {  	v32 =	vadd.f32 v4, v32;
	v36 =	vmul.f32 v59, v50;
	v4 =	vmul.f32 v40, v55;
	v40 =	vld [tilespmem:s21+$0xFFFFFD10]  }
0xca: {  	v59 =	vmul.f32 v56, v60;
	v56 =	vld [tilespmem:s21+$0xFFFFFC00];
	v22 =	vmul.f32 v22, v60  }
0xcb: {  	v31 =	vadd.f32 v41, v31;
	v41 =	vmul.f32 v57, v42;
	v57 =	vmul.f32 v62, v54;
	v62 =	vld [tilespmem:s21+$0x190]  }
0xcc: {  	v26 =	vmul.f32 v34, v26;
	v21 =	vadd.f32 v21, v52;
	v22 =	vadd.f32 v22, v23;
	v23 =	vld [tilespmem:s21+$0xFFFFFD00]  }
0xcd: {  	v25 =	vmul.f32 v25, v42;
	v38 =	vmul.f32 v34, v38;
	v54 =	vld [tilespmem:s21+$0xFFFFFF10]  }
0xce: {  	v61 =	vadd.f32 v61, v21;
	v21 =	vadd.f32 v26, v30;
	v30 =	vld [tilespmem:s21+$0xFFFFFF30];
	v37 =	vmul.f32 v37, v60  }
0xcf: {  	v52 =	vmul.f32 v33, v55;
	v38 =	vadd.f32 v38, v58;
	v32 =	vadd.f32 v59, v32;
	v59 =	vld [tilespmem:s21+$0xFFFFFE10]  }
0xd0: {  	v48 =	vmul.f32 v34, v48;
	v60 =	vld [tilespmem:s21+$0xFFFFFE30];
	v26 =	vadd.f32 v37, v47;
	v37 =	vmul.f32 v40, v42  }
0xd1: {  	v22 =	vadd.f32 v57, v22;
	v57 =	vld [tilespmem:s21+$0x30];
	v42 =	vmul.f32 v23, v42;
	v23 =	vmul.f32 v35, v39  }
0xd2: {  	v51 =	vmul.f32 v51, v50;
	v32 =	vadd.f32 v45, v32;
	v31 =	vadd.f32 v48, v31;
	v47 =	vld [tilespmem:s21+$0xFFFFFE20]  }
0xd3: {  	v50 =	vmul.f32 v34, v56;
	v56 =	vadd.f32 v41, v21;
	v35 =	vld [tilespmem:s21+$0x80];
	v22 =	vadd.f32 v23, v22  }
0xd4: {  	v21 =	vmul.f32 v29, v15;
	v34 =	vadd.f32 v44, v61;
	v40 =	vmul.f32 v59, v53;
	v59 =	vld [tilespmem:s21+$0x390]  }
0xd5: {  	v45 =	vmul.f32 v62, v27;
	v29 =	vmul.f32 v60, v53;
	v51 =	vadd.f32 v51, v22;
	v22 =	vld [tilespmem:$0x1FFE0]  }
0xd6: {  	v41 =	vmul.f32 v54, v19;
	v32 =	vadd.f32 v46, v32;
	v26 =	vadd.f32 v24, v26;
	v60 =	vld [tilespmem:s21+$0x130]  }
0xd7: {  	v62 =	vld [tilespmem:s21+$0x230];
	v61 =	vmul.f32 v30, v19;
	v28 =	vadd.f32 v50, v28;
	v29 =	vadd.f32 v29, v56  }
0xd8: {  	v39 =	vadd.f32 v25, v31;
	v30 =	vmul.f32 v35, v55;
	v55 =	vmul.f32 v57, v18;
	v57 =	vld [tilespmem:s21+$0x1A0]  }
0xd9: {  	v33 =	vadd.f32 v36, v32;
	v29 =	vadd.f32 v61, v29;
	v24 =	vmul.f32 v59, v16;
	v59 =	vld [tilespmem:s21+$0xFFFFFE00]  }
0xda: {  	v32 =	vadd.f32 v49, v34;
	v56 =	vadd.f32 v52, v51;
	v23 =	vmul.f32 v22, v2;
	v22 =	vld [tilespmem:$0x1FFF0]  }
0xdb: {  	v25 =	vld [tilespmem:s21+$0x20];
	v34 =	vadd.f32 v43, v26;
	v60 =	vmul.f32 v60, v15;
	v29 =	vadd.f32 v55, v29  }
0xdc: {  	v36 =	vld [tilespmem:s21+$0xFFFFFF20];
	v26 =	vadd.f32 v37, v38;
	v37 =	vmul.f32 v47, v53;
	v61 =	vadd.f32 v45, v56  }
0xdd: {  	v38 =	vld [tilespmem:s21+$0xFFFFFF00];
	v42 =	vadd.f32 v42, v28;
	v62 =	vmul.f32 v62, v14;
	v29 =	vadd.f32 v60, v29  }
0xde: {  	v43 =	vadd.f32 v40, v26;
	v35 =	vld [tilespmem:s21+$0x0];
	v26 =	vmul.f32 v57, v27;
	v28 =	vadd.f32 v63, v61  }
0xdf: {  	s24 =	simm.s32 $0x10;
	s22 =	simm.s32 $0x8400;
	v27 =	vld [tilespmem:s21+$0x120];
	v40 =	vadd.f32 v62, v29;
	v29 =	vmul.f32 v59, v53;
	v22 =	vmul.f32 v22, v2  }
.LBB2_5:
0xe0: {  	s25 =	sand.u32 $0x80, s24  }
0xe1: {  	v31 =	vadd.f32 v41, v43;
	v36 =	vmul.f32 v36, v19;
	v4 =	vadd.f32 v4, v33;
	v33 =	vld [tilespmem:s21+$0x100];
	s22 =	sadd.s32 $0x800, s22;
	s26 =	smov.u32 s24;
	s23 =	sadd.s32 $0x10, s24  }
0xe2: {  	p0 =	sne.s32 s24, $0xF0;
	v37 =	vadd.f32 v37, v39;
	s26 =	sand.u32 $0x70, s26;
	s25 =	sadd.s32 s25, s19;
	v29 =	vadd.f32 v29, v42;
	v19 =	vmul.f32 v38, v19;
	v38 =	vld [tilespmem:s21+$0x2B0]  }
0xe3: {  	v10 =	vadd.f32 v10, v32;
	s24 =	sadd.s32 s26, s25;
	v39 =	vmul.f32 v25, v18;
	v32 =	vld [tilespmem:s21+$0x200];
	v25 =	vadd.f32 v22, v40  }
0xe4: {  	v20 =	vadd.f32 v20, v34;
	v40 =	vld [tilespmem:s24+$0x100];
	v19 =	vadd.f32 v19, v29;
	v18 =	vmul.f32 v35, v18  }
0xe5: {  	v16 =	vmul.f32 v1, v16;
	v6 =	vadd.f32 v6, v10;
	v27 =	vmul.f32 v27, v15;
	v10 =	vld [tilespmem:s21+$0x300];
	s21 =	smov.u32 s22  }
0xe6: {  	v34 =	vadd.f32 v36, v37;
	v29 =	vld [tilespmem:s22+$0x320];
	v18 =	vadd.f32 v18, v19;
	v15 =	vmul.f32 v33, v15  }
0xe7: {  	v9 =	vadd.f32 v9, v31;
	v19 =	vadd.f32 v30, v20;
	v22 =	vld [tilespmem:s22+$0x310];
	v12 =	vmul.f32 v38, v12  }
0xe8: {  	v4 =	vadd.f32 v26, v4;
	v20 =	vadd.f32 v39, v34;
	v1 =	vld [tilespmem:s22+$0x3B0];
	v14 =	vmul.f32 v32, v14  }
0xe9: {  	v15 =	vadd.f32 v15, v18;
	v5 =	vadd.f32 v5, v19;
	v26 =	vmul.f32 $1.000000050e-03, v40;
	v31 =	vld [tilespmem:s22+$0x220]  }
0xea: {  	v18 =	vadd.f32 v27, v20;
	v6 =	vadd.f32 v12, v6;
	v19 =	vld [tilespmem:s22+$0x210];
	v10 =	vmul.f32 v10, v2  }
0xeb: {  	v9 =	vadd.f32 v21, v9;
	v14 =	vadd.f32 v14, v15;
	v12 =	vmul.f32 $1.442695020e+00, v26;
	v20 =	vld [tilespmem:s22+$0x380]  }
0xec: {  	v13 =	vadd.f32 v13, v18;
	v5 =	vadd.f32 v17, v5;
	v2 =	vmul.f32 v0, v2;
	v0 =	vmovc v29;
	v32 =	vld [tilespmem:s22+$0x3A0]  }
0xed: {  	v4 =	vadd.f32 v7, v4;
	v8 =	vadd.f32 v8, v9;
	v17 =	vld [tilespmem:s22+$0x280];
	(erf) = vpow2.f32 v12  }
0xee: {  	v33 =	vadd.f32 v16, v6;
	v30 =	vadd.f32 v11, v5;
	v21 =	vld [tilespmem:s22+$0x110]  }
0xef: {  	v27 =	vadd.f32 v23, v8;
	v23 =	vadd.f32 v2, v13;
	v5 =	vld [tilespmem:s22+$0x2A0]  }
0xf0: {  	v34 =	vadd.f32 v24, v28;
	v35 =	vadd.f32 v3, v4;
	v6 =	vld [tilespmem:s22+$0x180]  }
0xf1: {  	v26 =	vadd.f32 v10, v14;
	v4 =	vld [tilespmem:s22+$0x1B0]  }
0xf2: {  	v9 =	vld [tilespmem:s22+$0x10]  }
0xf3: {  	v24 =	vld [tilespmem:s22+$0x330]  }
0xf4: {  	v10 =	vld [tilespmem:s22+$0x290]  }
0xf5: {  	v36 =	vld [tilespmem:s22+$0xFFFFFF80]  }
0xf6: {  	v37 =	vld [tilespmem:s22+$0xB0];
	v38 =	vpop (erf)  }
0xf7: {  	v39 =	vld [tilespmem:s22+$0x90]  }
0xf8: {  	v40 =	vld [tilespmem:s22+$0xA0]  }
0xf9: {  	v41 =	vld [tilespmem:s22+$0xFFFFFE80]  }
0xfa: {  	v42 =	vbroadcast v38, $0x5;
	v12 =	vbroadcast v38, $0xD;
	v43 =	vld [tilespmem:s22+$0xFFFFFEB0]  }
0xfb: {  	v28 =	vbroadcast v38, $0xB;
	v2 =	vbroadcast v38, $0xE;
	v44 =	vld [tilespmem:s22+$0xFFFFFE90]  }
0xfc: {  	v15 =	vbroadcast v38, $0xA;
	v14 =	vbroadcast v38, $0xC;
	v45 =	vld [tilespmem:s22+$0xFFFFFEA0]  }
0xfd: {  	v18 =	vbroadcast v38, $0x8;
	v16 =	vbroadcast v38, $0xF;
	v46 =	vld [tilespmem:s22+$0xFFFFFFB0]  }
0xfe: {  	v47 =	vbroadcast v38, $0x7;
	v8 =	vmul.f32 v19, v14;
	v48 =	vld [tilespmem:s22+$0xFFFFFFA0]  }
0xff: {  	v49 =	vbroadcast v38, $0x1;
	v13 =	vmul.f32 v31, v14;
	v50 =	vld [tilespmem:s22+$0xFFFFFDB0]  }
0x100: {  	v19 =	vbroadcast v38, $0x6;
	v11 =	vmul.f32 v20, v16;
	v51 =	vld [tilespmem:s22+$0xFFFFFF90]  }
0x101: {  	v29 =	vbroadcast v38, $0x4;
	v3 =	vmul.f32 v32, v16;
	v20 =	vld [tilespmem:s22+$0xFFFFFDA0]  }
0x102: {  	v32 =	vbroadcast v38, $0x3;
	v17 =	vmul.f32 v17, v12;
	v52 =	vld [tilespmem:s22+$0xFFFFFD90]  }
0x103: {  	v54 =	vbroadcast v38, $0x9;
	v7 =	vmul.f32 v5, v12;
	v53 =	vld [tilespmem:s22+$0xFFFFFD80]  }
0x104: {  	v31 =	vmul.f32 v10, v12;
	v55 =	vld [tilespmem:s22+$0xFFFFFD30];
	v50 =	vmul.f32 v50, v32  }
0x105: {  	v56 =	vbroadcast v38, $0x0;
	v9 =	vmul.f32 v9, v18;
	v57 =	vld [tilespmem:s22+$0xFFFFFD20]  }
0x106: {  	v5 =	vmul.f32 v6, v28;
	v51 =	vmul.f32 v51, v47;
	v58 =	vld [tilespmem:s22+$0xFFFFFCB0]  }
0x107: {  	v38 =	vbroadcast v38, $0x2;
	v6 =	vmul.f32 v4, v28;
	v59 =	vld [tilespmem:s22+$0xFFFFFCA0]  }
0x108: {  	v10 =	vmul.f32 v37, v54;
	v60 =	vld [tilespmem:s22+$0xFFFFFC90];
	v53 =	vmul.f32 v53, v32  }
0x109: {  	v61 =	vmul.f32 v20, v32;
	v37 =	vld [tilespmem:s22+$0xFFFFFC80];
	v55 =	vmul.f32 v55, v38  }
0x10a: {  	v20 =	vmul.f32 v36, v47;
	v36 =	vmul.f32 v48, v47;
	v62 =	vld [tilespmem:s22+$0xFFFFFC30]  }
0x10b: {  	v4 =	vmul.f32 v40, v54;
	v48 =	vld [tilespmem:s22+$0xFFFFFC20];
	v58 =	vmul.f32 v58, v49  }
0x10c: {  	v46 =	vmul.f32 v46, v47;
	v40 =	vld [tilespmem:s22+$0xFFFFFC10];
	v59 =	vmul.f32 v59, v49  }
0x10d: {  	v57 =	vmul.f32 v57, v38;
	v47 =	vld [tilespmem:s22+$0xFFFFFC00];
	v60 =	vmul.f32 v60, v49;
	v33 =	vadd.f32 v58, v33  }
0x10e: {  	v39 =	vmul.f32 v39, v54;
	v37 =	vmul.f32 v37, v49;
	v35 =	vadd.f32 v59, v35;
	v49 =	vld [tilespmem:s22+$0xFFFFFD10]  }
0x10f: {  	v32 =	vmul.f32 v52, v32;
	v58 =	vmul.f32 v56, v62;
	v34 =	vadd.f32 v60, v34;
	v59 =	vld [tilespmem:s22+$0xFFFFFD00]  }
0x110: {  	v41 =	vmul.f32 v41, v42;
	v48 =	vmul.f32 v56, v48;
	v35 =	vadd.f32 v61, v35;
	v52 =	vld [tilespmem:s22+$0xFFFFFE10]  }
0x111: {  	v45 =	vmul.f32 v45, v42;
	v40 =	vmul.f32 v56, v40;
	v32 =	vadd.f32 v32, v34;
	v34 =	vld [tilespmem:s22+$0xFFFFFE30]  }
0x112: {  	v43 =	vmul.f32 v43, v42;
	v33 =	vadd.f32 v50, v33;
	v47 =	vmul.f32 v56, v47;
	v50 =	vld [tilespmem:s22+$0x190]  }
0x113: {  	v37 =	vadd.f32 v37, v30;
	v25 =	vadd.f32 v58, v25;
	v49 =	vmul.f32 v49, v38;
	v30 =	vld [tilespmem:s22+$0xFFFFFF30]  }
0x114: {  	v35 =	vadd.f32 v45, v35;
	v56 =	vmul.f32 v59, v38;
	v38 =	vmul.f32 v44, v42;
	v42 =	vld [tilespmem:s22+$0x80]  }
0x115: {  	v21 =	vmul.f32 v21, v15;
	v25 =	vadd.f32 v55, v25;
	v44 =	vmul.f32 v52, v29;
	v45 =	vld [tilespmem:s22+$0x30]  }
0x116: {  	v43 =	vadd.f32 v43, v33;
	v33 =	vadd.f32 v36, v35;
	v34 =	vmul.f32 v34, v29;
	v35 =	vld [tilespmem:s22+$0x390]  }
0x117: {  	v48 =	vadd.f32 v48, v23;
	v23 =	vadd.f32 v38, v32;
	v36 =	vld [tilespmem:s22+$0x130];
	v38 =	vmul.f32 v50, v28  }
0x118: {  	v32 =	vadd.f32 v46, v43;
	v25 =	vadd.f32 v34, v25;
	v34 =	vmul.f32 v30, v19;
	v43 =	vld [tilespmem:s22+$0x230]  }
0x119: {  	v50 =	vadd.f32 v51, v23;
	v23 =	vmul.f32 v22, v2;
	v46 =	vld [tilespmem:s22+$0xFFFFFE20];
	v30 =	vmul.f32 v42, v54  }
0x11a: {  	v22 =	vmul.f32 v24, v2;
	v42 =	vld [tilespmem:s22+$0xFFFFFF10];
	v25 =	vadd.f32 v34, v25;
	v34 =	vmul.f32 v45, v18  }
0x11b: {  	v37 =	vadd.f32 v53, v37;
	v39 =	vadd.f32 v39, v50;
	v45 =	vld [tilespmem:s22+$0x1A0];
	v24 =	vmul.f32 v35, v16  }
0x11c: {  	v27 =	vadd.f32 v40, v27;
	v50 =	vld [tilespmem:s22+$0xFFFFFE00];
	v25 =	vadd.f32 v34, v25;
	v35 =	vmul.f32 v36, v15  }
.Ltmp1:
0x11d: {  	v34 =	vadd.f32 v41, v37;
	v51 =	vadd.f32 v38, v39;
	v36 =	vld [tilespmem:s22+$0xFFFFFF20];
	v40 =	vmul.f32 v43, v14;
	(pc) =	sbr.rel @p0 .LBB2_5-.Ltmp1, $4  }
0x11e: {  	v27 =	vadd.f32 v49, v27;
	v37 =	vmul.f32 v46, v29;
	v38 =	vld [tilespmem:s22+$0xFFFFFF00];
	v46 =	vadd.f32 v35, v25  }
0x11f: {  	v47 =	vadd.f32 v47, v26;
	v39 =	vadd.f32 v57, v48;
	v41 =	vmul.f32 v42, v19;
	v25 =	vld [tilespmem:s22+$0x20]  }
0x120: {  	v43 =	vadd.f32 v44, v27;
	v35 =	vld [tilespmem:s22+$0x0];
	v26 =	vmul.f32 v45, v28;
	v40 =	vadd.f32 v40, v46  }
0x121: {  	s24 =	smov.u32 s23;
	v42 =	vadd.f32 v56, v47;
	v28 =	vadd.f32 v31, v51;
	v29 =	vmul.f32 v50, v29;
	v27 =	vld [tilespmem:s22+$0x120]  }
0x122: {  	v31 =	vadd.f32 v41, v43;
	v4 =	vadd.f32 v4, v33  }
0x123: {  	v37 =	vadd.f32 v37, v39;
	v10 =	vadd.f32 v10, v32  }
0x124: {  	v53 =	vmul.f32 v36, v19;
	v22 =	vadd.f32 v22, v40;
	v20 =	vadd.f32 v20, v34  }
0x125: {  	v29 =	vadd.f32 v29, v42;
	v24 =	vadd.f32 v24, v28  }
0x126: {  	v52 =	vld [tilespmem:s21+$0x100];
	v38 =	vmul.f32 v38, v19;
	v6 =	vadd.f32 v6, v10;
	v58 =	vadd.f32 v53, v37  }
0x127: {  	v54 =	vld [tilespmem:s21+$0x2B0];
	v57 =	vmul.f32 v25, v18;
	v9 =	vadd.f32 v9, v31;
	v20 =	vadd.f32 v30, v20  }
0x128: {  	v55 =	vld [tilespmem:s21+$0x200];
	v4 =	vadd.f32 v26, v4;
	v29 =	vadd.f32 v38, v29;
	v56 =	vmul.f32 v35, v18  }
0x129: {  	v60 =	vmul.f32 v27, v15;
	v10 =	vadd.f32 v57, v58;
	v5 =	vadd.f32 v5, v20  }
0x12a: {  	v62 =	vld [tilespmem:s21+$0x300];
	v1 =	vmul.f32 v1, v16;
	v9 =	vadd.f32 v21, v9;
	v4 =	vadd.f32 v7, v4  }
0x12b: {  	s18 =	sadd.s32 $0x1, s18;
	v59 =	vadd.f32 v56, v29;
	v25 =	vmul.f32 v52, v15;
	v10 =	vadd.f32 v60, v10  }
0x12c: {  	p0 =	sne.s32 s18, $0x20;
	v12 =	vmul.f32 v54, v12;
	v5 =	vadd.f32 v17, v5;
	v8 =	vadd.f32 v8, v9  }
.Ltmp2:
0x12d: {  	v14 =	vmul.f32 v55, v14;
	v30 =	vadd.f32 v3, v4;
	v61 =	vadd.f32 v25, v59;
	(pc) =	sbr.rel @p0 .LBB2_2-.Ltmp2, $4  }
0x12e: {  	v0 =	vmul.f32 v0, v2;
	v6 =	vadd.f32 v12, v6;
	v10 =	vadd.f32 v13, v10  }
0x12f: {  	v2 =	vmul.f32 v62, v2;
	v26 =	vadd.f32 v11, v5;
	v63 =	vadd.f32 v14, v61  }
0x130: {  	s19 =	sadd.s32 s20, s7;
	v27 =	vadd.f32 v1, v6;
	v1 =	vadd.f32 v23, v8  }
0x131: {  	[tilespmem:s11], [sflag:$0x2] =	stream.linear.gather [hbm4b:s19+s2], $0x8000, $0x38;
	v23 =	vadd.f32 v0, v10;
	v0 =	vadd.f32 v2, v63;
	[tilespmem:$0x18080] =	vst v63  }
0x132: {  	v1 =	vadd.f32 v24, v1  }
0x133: {  	v63 =	vadd.f32 v27, v22  }
0x134: {  	v0 =	vadd.f32 v26, v0;
	[tilespmem:$0x18010] =	vst v1  }
0x135: {  	s17 =	sadd.s32 $0x1, s17;
	v62 =	vadd.f32 v30, v23;
	[tilespmem:$0x18030] =	vst v63  }
0x136: {  	p0 =	sne.s32 s17, s9;
	[tilespmem:$0x18000] =	vst v0  }
.Ltmp3:
0x137: {  	[tilespmem:$0x18020] =	vst v62;
	(pc) =	sbr.rel @p0 .LBB2_1-.Ltmp3, $4  }
0x138: {  	[hbm4b:s8+s2] =	stream.linear.scatter [tilespmem:s15], [sflag:$0x4], $0x80, $0x38;
	[tilespmem:$0x18080] =	vst v63  }
0x139: {  	_ =	swait.ge [sflag:s16], $0x80  }
0x13a: {  	[sflag:s16] =	ssyncset.done $0x0  }
0x13b: {  	[sflag:s16] =	ssyncadd.s32 $0xFFFFFF80  }
0x13c: {  	_ =	sfence.sel $0x180000  }
0x13d: {  	[bflag:$0x0] =	sbarrier.arrive $0xFFFF  }
0x13e: {  	p0 =	sne.s32 s1, $0x0;
	_ =	strace $0x90000047  }
0x13f: {  	s0 =	sadd.s32 @!p0 $0x100000, s0;
	[bflag:$0x2] =	sbarrier.arrive $0xFFFF  }
0x140: {  	[sflag:s0] =	ssyncadd.tile.s32 @!p0 $0x1;
	_ =	shalt  }
.Lfunc_end2:
_tile_overlayer_lowered:
.L_overlay_start_2:
0x141: {  	(tag) =	ssettag $0x2  }
0x142: {  	s0 =	rddreg [dreg:$0x0];
	s2 =	stileid.u32  }
0x143: {  	s1 =	rddreg [dreg:$0x1];
	p0 =	sne.s32 s2, $0x0  }
0x144: {  	s3 =	rddreg [dreg:$0x2];
	[bflag:$0x3] =	sbarrier.arrive $0xFFFF;
	s2 =	simm.s32 @!p0 $0x1C04  }
0x145: {  	[timem:s3], [sflag:s2] =	dma.local @!p0 [hbm:s0], s1  }
0x146: {  	s0 =	simm.s32 @!p0 $0x4  }
0x147: {  	_ =	swait.ge @!p0 [sflag:s0], s1  }
0x148: {  	s1 =	ssub.s32 @!p0 $0x0, s1;
	[sflag:s0] =	ssyncset.done @!p0 $0x0  }
0x149: {  	[sflag:s0] =	ssyncadd.s32 @!p0 s1  }
0x14a: {  	[bflag:$0x3] =	sbarrier.arrive $0xFFFF  }
0x14b: {  	_ =	shalt  }

// kernel: kernel.8.cloned.1.call-start
scs
__scs_entry_jumppad:
0x0: {  	(pc) =	sbr.rel $0x88, $3  }
0x1: {  	(tag) =	ssettag $0x0;
	lr =	simm.s32 $0x1  }
0x2: {  	[smem:$0x3F9C] =	sst lr;
	_ =	strace $0xD0000000  }
0x3: {  	_ = 	snop  }
0x4: {  	_ = 	snop  }
0x5: {  	_ = 	snop  }
0x6: {  	_ = 	snop  }
0x7: {  	_ = 	snop  }
__scs_overlays_trampoline_lowered:
0x8: {  	[smem:$0x3FAB] =	sst s0  }
0x9: {  	[smem:$0x3FAC] =	sst s1  }
0xa: {  	[smem:$0x3FAD] =	sst s2  }
0xb: {  	[smem:$0x3FAE] =	sst s3  }
0xc: {  	[smem:$0x3FAF] =	sst s4  }
0xd: {  	[smem:$0x3FB0] =	sst s5  }
0xe: {  	[smem:$0x3FB1] =	sst s6  }
0xf: {  	[smem:$0x3FB2] =	sst s7  }
0x10: {  	[smem:$0x3FB3] =	sst s8  }
0x11: {  	[smem:$0x3FB4] =	sst s9;
	s0 =	simm.s32 @!p0 $0x0  }
0x12: {  	s1 =	sld [smem:$0x3F9A];
	s0 =	simm.s32 @p0 $0x1  }
0x13: {  	[smem:$0x3FB5] =	sst s0;
	s0 =	simm.s32 @!p1 $0x0  }
0x14: {  	s2 =	sld [smem:$0x3F99];
	s0 =	simm.s32 @p1 $0x1  }
0x15: {  	[smem:$0x3FB6] =	sst s0;
	s0 =	simm.s32 @!p2 $0x0  }
0x16: {  	s3 =	sld [smem:$0x3FDB];
	s0 =	simm.s32 @p2 $0x1  }
0x17: {  	s4 =	simm.s32 $0x1BF5;
	[smem:$0x3FB8] =	sst s0  }
0x18: {  	s0 =	sld [smem:$0x3F9B];
	_ =	swait.ge [sflag:s4], $0x0  }
0x19: {  	s7 =	sld [smem:$0x3F9C]  }
0x1a: {  	s8 =	sadd.s32 $0xFFFFE003, lr  }
0x1b: {  	s9 =	sadd.s32 $0xFFFFFEF7, lr;
	s5 =	simm.s32 $0xFFFFFFFF;
	p2 =	slt.u32 s8, $0xFFFFF086  }
0x1c: {  	p1 =	slt.u32 s9, $0xF7A;
	s5 =	simm.s32 @!p2 $0x0  }
0x1d: {  	s5 =	simm.s32 @p1 $0x1;
	p0 =	seq.s32 s7, s2  }
0x1e: {  	s7 =	smul.u32 @!p0 $0xF7A, s2;
	p2 =	seq.s32 @!p0 s5, $0x0  }
0x1f: {  	s9 =	smul.u32 $0xF7A, s1;
	s8 =	simm.s32 @!p0 $0x1BF5;
	p2 =	por !p2, p0  }
0x20: {  	[sflag:s8] =	ssyncset.s32 @!p0 $0xFFFFF086;
	s6 =	sadd.s32 @!p0 s3, s7;
	s7 =	simm.s32 @!p0 $0x108  }
0x21: {  	s3 =	sadd.s32 s3, s9;
	s6 =	sadd.s32 @!p0 $0x88, s6;
	s7 =	simm.s32 @p2 $0x1082  }
0x22: {  	[simem:s7], [sflag:s8] =	dma.local @!p0 [hbm:s6], $0xF7A  }
0x23: {  	s9 =	sor.u32 $0xD0000000, s2;
	s6 =	simm.s32 $0x108;
	_ =	swait.ge @!p0 [sflag:s8], $0x0  }
0x24: {  	s3 =	sadd.s32 $0x88, s3;
	s6 =	simm.s32 @!p1 $0x1082;
	[sflag:s4] =	ssyncset.s32 $0xFFFFF086  }
0x25: {  	[simem:s6], [sflag:s4] =	dma.local [hbm:s3], $0xF7A  }
0x26: {  	[smem:$0x3F9C] =	sst s1;
	(tag) =	ssettag s2;
	_ =	strace s9  }
0x27: {  	s1 =	sld [smem:$0x3FAC]  }
0x28: {  	s2 =	sld [smem:$0x3FAD]  }
0x29: {  	s4 =	sld [smem:$0x3FAF]  }
0x2a: {  	p0 =	seq.s32 s5, $0x0;
	s5 =	sld [smem:$0x3FB0]  }
0x2b: {  	s6 =	sld [smem:$0x3FB1]  }
0x2c: {  	s7 =	sld [smem:$0x3FB2]  }
0x2d: {  	s3 =	simm.s32 $0x108;
	s8 =	sld [smem:$0x3FB3]  }
0x2e: {  	s3 =	simm.s32 @!p0 $0x1082;
	s9 =	sld [smem:$0x3FB4]  }
0x2f: {  	lr =	sadd.s32 s0, s3;
	s0 =	sld [smem:$0x3FAB]  }
0x30: {  	s3 =	sld [smem:$0x3FAE]  }
0x31: {  	[smem:$0x3FB7] =	sst s10  }
0x32: {  	s10 =	sld [smem:$0x3FB5];
	_ =	sdelay $0x3  }
0x33: {  	p0 =	seq.s32 s10, $0x1;
	s10 =	sld [smem:$0x3FB7];
	_ =	sdelay $0x3  }
0x34: {  	[smem:$0x3FB7] =	sst s10  }
0x35: {  	s10 =	sld [smem:$0x3FB6];
	_ =	sdelay $0x3  }
0x36: {  	p1 =	seq.s32 s10, $0x1;
	s10 =	sld [smem:$0x3FB7];
	_ =	sdelay $0x3  }
0x37: {  	[smem:$0x3FB7] =	sst s10  }
0x38: {  	s10 =	sld [smem:$0x3FB8]  }
0x39: {  	_ = 	snop;
	(pc) =	sbr.ind lr, $3  }
0x3a: {  	_ = 	snop  }
0x3b: {  	_ = 	snop  }
0x3c: {  	p2 =	seq.s32 s10, $0x1;
	s10 =	sld [smem:$0x3FB7]  }
0x3d: {  	_ =	shalt  }
0x3e: {  	_ =	shalt  }
0x3f: {  	_ =	shalt  }
0x40: {  	_ =	shalt  }
0x41: {  	_ =	shalt  }
0x42: {  	_ =	shalt  }
0x43: {  	_ =	shalt  }
0x44: {  	_ =	shalt  }
0x45: {  	_ =	shalt  }
0x46: {  	_ =	shalt  }
0x47: {  	_ =	shalt  }
0x48: {  	_ =	shalt  }
0x49: {  	_ =	shalt  }
0x4a: {  	_ =	shalt  }
0x4b: {  	_ =	shalt  }
0x4c: {  	_ =	shalt  }
0x4d: {  	_ =	shalt  }
0x4e: {  	_ =	shalt  }
0x4f: {  	_ =	shalt  }
0x50: {  	_ =	shalt  }
0x51: {  	_ =	shalt  }
0x52: {  	_ =	shalt  }
0x53: {  	_ =	shalt  }
0x54: {  	_ =	shalt  }
0x55: {  	_ =	shalt  }
0x56: {  	_ =	shalt  }
0x57: {  	_ =	shalt  }
0x58: {  	_ =	shalt  }
0x59: {  	_ =	shalt  }
0x5a: {  	_ =	shalt  }
0x5b: {  	_ =	shalt  }
0x5c: {  	_ =	shalt  }
0x5d: {  	_ =	shalt  }
0x5e: {  	_ =	shalt  }
0x5f: {  	_ =	shalt  }
0x60: {  	_ =	shalt  }
0x61: {  	_ =	shalt  }
0x62: {  	_ =	shalt  }
0x63: {  	_ =	shalt  }
0x64: {  	_ =	shalt  }
0x65: {  	_ =	shalt  }
0x66: {  	_ =	shalt  }
0x67: {  	_ =	shalt  }
0x68: {  	_ =	shalt  }
0x69: {  	_ =	shalt  }
0x6a: {  	_ =	shalt  }
0x6b: {  	_ =	shalt  }
0x6c: {  	_ =	shalt  }
0x6d: {  	_ =	shalt  }
0x6e: {  	_ =	shalt  }
0x6f: {  	_ =	shalt  }
0x70: {  	_ =	shalt  }
0x71: {  	_ =	shalt  }
0x72: {  	_ =	shalt  }
0x73: {  	_ =	shalt  }
0x74: {  	_ =	shalt  }
0x75: {  	_ =	shalt  }
0x76: {  	_ =	shalt  }
0x77: {  	_ =	shalt  }
0x78: {  	_ =	shalt  }
0x79: {  	_ =	shalt  }
0x7a: {  	_ =	shalt  }
0x7b: {  	_ =	shalt  }
0x7c: {  	_ =	shalt  }
0x7d: {  	_ =	shalt  }
0x7e: {  	_ =	shalt  }
0x7f: {  	_ =	shalt  }
0x80: {  	_ =	shalt  }
0x81: {  	_ =	shalt  }
0x82: {  	_ =	shalt  }
0x83: {  	_ =	shalt  }
0x84: {  	_ =	shalt  }
0x85: {  	_ =	shalt  }
0x86: {  	_ =	shalt  }
0x87: {  	_ =	shalt  }
.Lfunc_end0:
.L_simem_size_0:
called_computation.1_lowered:
.L_overlay_start_0:
0x88: {  	s2 =	sld [smem:$0x3FD9]  }
0x89: {  	s3 =	sld [smem:$0x3FFE];
	_ =	sdelay $0x1  }
0x8a: {  	s1 =	srdreg.scid  }
0x8b: {  	s0 =	sand.u32 $0x1, s1  }
0x8c: {  	s17 =	sshll.u32 s0, $0xA;
	s2 =	sadd.s32 s3, s2  }
0x8d: {  	s2 =	sadd.s32 s2, s17  }
0x8e: {  	[smem:$0x3FC3] =	sst s2  }
0x8f: {  	_ = 	snop  }
0x90: {  	(tm) =	ssettm $0x1  }
0x91: {  	s18 =	sld [smem:$0x3FFB];
	_ =	sdelay $0x3  }
0x92: {  	_ =	strace s18  }
0x93: {  	s2 =	sld [smem:$0x3FFC];
	_ =	sdelay $0x3  }
0x94: {  	_ =	strace s2  }
0x95: {  	s2 =	sld [smem:$0x3FFD];
	_ =	sdelay $0x3  }
0x96: {  	_ =	strace s2  }
0x97: {  	_ =	strace $0x8FFFFFFF  }
0x98: {  	s19 =	sld [smem:$0x3FDB];
	_ =	sdelay $0x1  }
0x99: {  	s20 =	simm.s32 $_scs_section_size  }
0x9a: {  	s4 =	simm.s32 $_size__tile_overlayer_lowered;
	s5 =	simm.s32 $_tile_overlayer_lowered  }
0x9b: {  	s6 =	simm.s32 $0x1BFF;
	s21 =	sshll.u32 s5, $0x1;
	s3 =	sadd.s32 s20, s19  }
0x9c: {  	s22 =	simm.s32 $0x0;
	s4 =	sshll.u32 s4, $0x1;
	s5 =	sadd.s32 s21, s3  }
0x9d: {  	[timem:s22], [sflag:s6] =	dma.local [hbm:s5], s4  }
0x9e: {  	_ =	swait.ge [sflag:s6], s4  }
0x9f: {  	s4 =	ssub.s32 $0x0, s4;
	[sflag:s6] =	ssyncset.done $0x0  }
0xa0: {  	[sflag:s6] =	ssyncadd.s32 s4;
	_ =	sdelay $0x1  }
0xa1: {  	s23 =	simm.s32 $0x1B8B  }
0xa2: {  	_ =	swait.ge [sflag:s23], $0x1  }
0xa3: {  	[sflag:s23] =	ssyncset.done $0x0  }
0xa4: {  	[sflag:s23] =	ssyncadd.s32 $0xFFFFFFFF  }
0xa5: {  	s4 =	sld [smem:$0x0]  }
0xa6: {  	s5 =	sand.u32 $0xFFFFFFFE, s1  }
0xa7: {  	p0 =	sne.s32 s1, s5  }
0xa8: {  	s5 =	sshll.u32 @p0 s5, $0xE  }
0xa9: {  	s5 =	sadd.s32 @p0 $0x11B8D, s5;
	s6 =	sshll.u32 @p0 s4, $0x11  }
0xaa: {  	s5 =	sor.u32 @p0 s6, s5  }
0xab: {  	[sflag:s5] =	ssyncadd.remote.s32 @p0 $0x1;
	_ =	sdelay $0x1  }
0xac: {  	s5 =	simm.s32 @p0 $0x1B8D  }
0xad: {  	_ =	swait.eq @p0 [sflag:s5], $0x1  }
0xae: {  	[sflag:s5] =	ssyncadd.s32 @p0 $0xFFFFFFFF  }
0xaf: {  	s6 =	sshll.u32 @!p0 s1, $0xE  }
0xb0: {  	s6 =	sor.u32 @!p0 $0x4000, s6;
	s5 =	simm.s32 @!p0 $0x1B8D  }
0xb1: {  	s4 =	sshll.u32 @!p0 s4, $0x11;
	s6 =	sadd.s32 @!p0 $0x11B8D, s6;
	_ =	swait.eq @!p0 [sflag:s5], $0x1  }
0xb2: {  	s4 =	sor.u32 @!p0 s4, s6;
	[sflag:s5] =	ssyncadd.s32 @!p0 $0xFFFFFFFF  }
0xb3: {  	s25 =	simm.s32 $0x1B8E;
	s24 =	sld [smem:$0x3FFE];
	[sflag:s4] =	ssyncadd.remote.s32 @!p0 $0x1  }
0xb4: {  	s26 =	simm.s32 $execute0_lowered;
	[smem:$0x3FD2] =	sst s25  }
0xb5: {  	s5 =	sshll.u32 s26, $0x1;
	_ =	strace $0x80000049;
	[dreg:$0x1] =	wrdreg $0xFFFFFFFF  }
0xb6: {  	s28 =	simm.s32 $_size_execute0_lowered;
	s3 =	sadd.s32 s3, s5;
	[dreg:$0x0] =	wrdreg $0x0  }
0xb7: {  	s5 =	sshll.u32 s28, $0x1;
	[dreg:$0x2] =	wrdreg s3  }
0xb8: {  	[dreg:$0x3] =	wrdreg s5  }
0xb9: {  	[dreg:$0x4] =	wrdreg $0xC0  }
0xba: {  	_ =	task [dreg:s22], $0x5FFFF  }
0xbb: {  	[dreg:$0x1] =	wrdreg $0xFFFFFFFF  }
0xbc: {  	[dreg:$0x0] =	wrdreg $0x60  }
0xbd: {  	[dreg:$0x2] =	wrdreg s24  }
0xbe: {  	[dreg:$0x3] =	wrdreg $0xA  }
0xbf: {  	_ =	task.clear_ibuf [dreg:s22], $0x4FFFF;
	_ =	strace $0x90000049  }
0xc0: {  	s29 =	simm.s32 $0xA;
	_ =	strace $0x8000004B  }
0xc1: {  	_ =	swait.ge [sflag:s29], $0x1  }
0xc2: {  	[sflag:s29] =	ssyncadd.s32 $0xFFFFFFFF  }
0xc3: {  	_ =	strace $0x9000004B  }
0xc4: {  	_ =	sfence  }
0xc5: {  	s30 =	sld [smem:$0x0];
	_ =	sdelay $0x2  }
0xc6: {  	s31 =	sshll.u32 s1, $0xD;
	s1 =	sshrl.u32 s1, $0x2  }
0xc7: {  	s4 =	sand.u32 $0x4000, s31;
	s1 =	sadd.s32 s1, s30  }
0xc8: {  	s0 =	sor.u32 s4, s0;
	s1 =	sshll.u32 s1, $0x11  }
0xc9: {  	s0 =	sor.u32 s1, s0  }
0xca: {  	s0 =	sadd.s32 $0x8F2B, s0  }
0xcb: {  	[sflag:s0] =	ssyncadd.remote.s32 $0x1  }
0xcc: {  	_ =	sfence.sel $0xFFFF  }
0xcd: {  	[dreg:$0x0] =	wrdreg $0xFFFFFFFF;
	(pc) =	sbr.abs _section_cstart, $3  }
0xce: {  	[dreg:$0x1] =	wrdreg $0xFFFFFFFF  }
0xcf: {  	_ =	task.clear_ibuf [dreg:s22], $0x2FFFF;
	_ =	strace $0x9FFFFFFF  }
0xd0: {  	(tm) =	ssettm $0x7FFFFFFF  }
0xd1: {  	_ =	shalt  }
tec
execute0_lowered:
.L_overlay_start_1:
0x0: {  	(tag) =	ssettag $0x1  }
0x1: {  	s1 =	srdreg.scid  }
0x2: {  	s9 =	sand.u32 $0x1, s1;
	s1 =	stileid.u32  }
0x3: {  	s3 =	sshll.u32 s1, $0x1;
	s4 =	ssub.s32 $0x0, s9  }
0x4: {  	p0 =	sne.s32 s3, s4  }
.Ltmp0:
0x5: {  	_ = 	snop;
	(pc) =	sbr.rel @p0 .LBB2_4-.Ltmp0, $4  }
0x6: {  	_ = 	snop  }
0x7: {  	s8 =	rddreg [dreg:$0x0];
	s2 =	simm.s32 $0x0  }
0x8: {  	[smem:$0x7FF] =	sst s2  }
0x9: {  	s0 =	rddreg [dreg:$0x1];
	_ =	strace $0x8000004A  }
0xa: {  	s3 =	sadd.s32 $0x1000E00, s8;
	s4 =	simm.s32 $0x1  }
0xb: {  	[tilespmem:s2], [sflag:$0x1] =	stream.linear.gather [hbm4b:s3+s2], $0x80, $0x38;
	[tilespmem:$0x500] =	vst v63  }
0xc: {  	_ =	swait.ge [sflag:s4], $0x80  }
0xd: {  	[sflag:s4] =	ssyncset.done $0x0  }
0xe: {  	[sflag:s4] =	ssyncadd.s32 $0xFFFFFF80  }
0xf: {  	v0 =	vld [tilespmem:$0x0];
	_ =	sdelay $0x4  }
0x10: {  	(v2sf) =	vpush v0, $0x0;
	_ =	sdelay $0xe  }
0x11: {  	s10 =	spop (v2sf)  }
0x12: {  	s5 =	sand.u32 $0x7, s10  }
0x13: {  	s6 =	sshra.s32 s10, $0x1F;
	p0 =	slt.s32 s10, $0x1;
	p1 =	sne.s32 s5, $0x0  }
0x14: {  	s29 =	sshrl.u32 s6, $0x1D;
	p0 =	por !p0, !p1  }
0x15: {  	s6 =	simm.s32 $0x1;
	s5 =	sadd.s32 s29, s10;
	p0 =	por !p0, !p0  }
0x16: {  	s5 =	sshra.s32 s5, $0x3;
	s6 =	simm.s32 @!p0 $0x0  }
0x17: {  	s11 =	ssub.s32 s5, s6  }
0x18: {  	s6 =	sshll.u32 s11, $0x7  }
0x19: {  	s5 =	sadd.s32 $0xC00, s8;
	s12 =	sand.u32 $0x1FFFFF80, s6  }
0x1a: {  	s7 =	simm.s32 $0x2;
	s6 =	simm.s32 $0x80;
	s12 =	sadd.s32 s5, s12  }
0x1b: {  	[tilespmem:s6], [sflag:$0x2] =	stream.linear.gather [hbm4b:s12+s2], $0x400, $0x38;
	[tilespmem:$0x500] =	vst v63  }
0x1c: {  	_ =	swait.ge [sflag:s7], $0x400  }
0x1d: {  	s10 =	sshll.u32 s10, $0x7;
	s11 =	sshll.u32 s11, $0xA;
	[sflag:s7] =	ssyncset.done $0x0  }
0x1e: {  	s10 =	ssub.s32 s10, s11;
	[sflag:s7] =	ssyncadd.s32 $0xFFFFFC00  }
0x1f: {  	v63 =	vld [tilespmem:s10+$0x80];
	_ =	sdelay $0x4  }
0x20: {  	[tilespmem:$0x480] =	vst v63  }
0x21: {  	v0 =	vld [tilespmem:s10+$0x90];
	_ =	sdelay $0x4  }
0x22: {  	[tilespmem:$0x490] =	vst v0  }
0x23: {  	v0 =	vld [tilespmem:s10+$0xA0];
	_ =	sdelay $0x4  }
0x24: {  	s9 =	ssub.s32 $0x2, s9;
	[tilespmem:$0x4A0] =	vst v0  }
0x25: {  	s30 =	sshrl.u32 s9, $0x1;
	v0 =	vld [tilespmem:s10+$0xB0]  }
0x26: {  	s9 =	ssub.s32 s9, s30  }
0x27: {  	s31 =	smax.u32 s9, $0x1  }
0x28: {  	p0 =	sne.s32 s31, $0x1  }
.Ltmp1:
0x29: {  	_ = 	snop;
	(pc) =	sbr.rel @!p0 .LBB2_3-.Ltmp1, $4  }
0x2a: {  	s9 =	simm.s32 $0x3;
	s8 =	sadd.s32 $0x1001000, s8;
	s10 =	simm.s32 $0x480;
	[tilespmem:$0x4B0] =	vst v0  }
0x2b: {  	[hbm4b:s8+s2] =	stream.linear.scatter [tilespmem:s10], [sflag:$0x3], $0x80, $0x38;
	[tilespmem:$0x500] =	vst v63  }
0x2c: {  	_ =	swait.ge [sflag:s9], $0x80  }
0x2d: {  	s11 =	sadd.s32 $0xFFFFFFFF, s31;
	[sflag:s9] =	ssyncset.done $0x0  }
.LBB2_2:
0x2e: {  	p0 =	sne.s32 s11, $0x1;
	s11 =	sadd.s32 $0xFFFFFFFF, s11;
	[sflag:s9] =	ssyncadd.s32 $0xFFFFFF80  }
0x2f: {  	[tilespmem:s2], [sflag:$0x1] =	stream.linear.gather [hbm4b:s3+s2], $0x80, $0x38;
	[tilespmem:$0x500] =	vst v63  }
0x30: {  	_ =	swait.ge [sflag:s4], $0x80  }
0x31: {  	[sflag:s4] =	ssyncset.done $0x0  }
0x32: {  	[sflag:s4] =	ssyncadd.s32 $0xFFFFFF80  }
0x33: {  	v0 =	vld [tilespmem:$0x0];
	_ =	sdelay $0x4  }
0x34: {  	(v2sf) =	vpush v0, $0x0;
	_ =	sdelay $0xe  }
0x35: {  	s12 =	spop (v2sf)  }
0x36: {  	s13 =	sshra.s32 s12, $0x1F;
	s14 =	sand.u32 $0x7, s12  }
0x37: {  	p1 =	slt.s32 s12, $0x1;
	s13 =	sshrl.u32 s13, $0x1D;
	p2 =	sne.s32 s14, $0x0  }
0x38: {  	s13 =	sadd.s32 s13, s12;
	p1 =	por !p1, !p2  }
0x39: {  	s14 =	simm.s32 $0x1;
	p1 =	por !p1, !p1  }
0x3a: {  	s13 =	sshra.s32 s13, $0x3;
	s14 =	simm.s32 @!p1 $0x0  }
0x3b: {  	s13 =	ssub.s32 s13, s14  }
0x3c: {  	s14 =	sshll.u32 s13, $0x7;
	s13 =	sshll.u32 s13, $0xA  }
0x3d: {  	s14 =	sand.u32 $0x1FFFFF80, s14  }
0x3e: {  	s14 =	sadd.s32 s5, s14  }
0x3f: {  	[tilespmem:s6], [sflag:$0x2] =	stream.linear.gather [hbm4b:s14+s2], $0x400, $0x38;
	[tilespmem:$0x500] =	vst v63  }
0x40: {  	_ =	swait.ge [sflag:s7], $0x400  }
0x41: {  	s12 =	sshll.u32 s12, $0x7;
	[sflag:s7] =	ssyncset.done $0x0  }
0x42: {  	s12 =	ssub.s32 s12, s13;
	[sflag:s7] =	ssyncadd.s32 $0xFFFFFC00  }
0x43: {  	v0 =	vld [tilespmem:s12+$0x80];
	_ =	sdelay $0x4  }
0x44: {  	[tilespmem:$0x480] =	vst v0  }
0x45: {  	v0 =	vld [tilespmem:s12+$0x90];
	_ =	sdelay $0x4  }
0x46: {  	[tilespmem:$0x490] =	vst v0  }
0x47: {  	v0 =	vld [tilespmem:s12+$0xA0];
	_ =	sdelay $0x4  }
0x48: {  	[tilespmem:$0x4A0] =	vst v0  }
0x49: {  	v0 =	vld [tilespmem:s12+$0xB0];
	_ =	sdelay $0x3  }
.Ltmp2:
0x4a: {  	(pc) =	sbr.rel @p0 .LBB2_2-.Ltmp2, $4  }
0x4b: {  	[tilespmem:$0x4B0] =	vst v0  }
0x4c: {  	[hbm4b:s8+s2] =	stream.linear.scatter [tilespmem:s10], [sflag:$0x3], $0x80, $0x38;
	[tilespmem:$0x500] =	vst v63  }
0x4d: {  	_ =	swait.ge [sflag:s9], $0x80  }
0x4e: {  	[sflag:s9] =	ssyncset.done $0x0  }
.LBB2_3:
0x4f: {  	[sflag:s9] =	ssyncadd.s32 $0xFFFFFF80  }
.LBB2_4:
0x50: {  	_ =	sfence.sel $0x180000  }
0x51: {  	[bflag:$0x0] =	sbarrier.arrive $0xFFFF  }
0x52: {  	p0 =	sne.s32 s1, $0x0;
	_ =	strace $0x9000004A  }
0x53: {  	s0 =	sadd.s32 @!p0 $0x100000, s0;
	[bflag:$0x2] =	sbarrier.arrive $0xFFFF  }
0x54: {  	[sflag:s0] =	ssyncadd.tile.s32 @!p0 $0x1;
	_ =	shalt  }
.Lfunc_end2:
_tile_overlayer_lowered:
.L_overlay_start_2:
0x55: {  	(tag) =	ssettag $0x2  }
0x56: {  	s0 =	rddreg [dreg:$0x0];
	s2 =	stileid.u32  }
0x57: {  	s1 =	rddreg [dreg:$0x1];
	p0 =	sne.s32 s2, $0x0  }
0x58: {  	s3 =	rddreg [dreg:$0x2];
	[bflag:$0x3] =	sbarrier.arrive $0xFFFF;
	s2 =	simm.s32 @!p0 $0x1C03  }
0x59: {  	[timem:s3], [sflag:s2] =	dma.local @!p0 [hbm:s0], s1  }
0x5a: {  	s0 =	simm.s32 @!p0 $0x3  }
0x5b: {  	_ =	swait.ge @!p0 [sflag:s0], s1  }
0x5c: {  	s1 =	ssub.s32 @!p0 $0x0, s1;
	[sflag:s0] =	ssyncset.done @!p0 $0x0  }
0x5d: {  	[sflag:s0] =	ssyncadd.s32 @!p0 s1  }
0x5e: {  	[bflag:$0x3] =	sbarrier.arrive $0xFFFF  }
0x5f: {  	_ =	shalt  }

</sc_bundles>
